<compile_context>
chip_gen: v7x
topology: tpu7x:2x2x1
jax: 0.10.2.dev20260603
libtpu: 0.0.44.dev20260713+nightly
codegen_flags: <defaults>
</compile_context>

<pallas_src>
import functools

import jax
import jax.numpy as jnp
import numpy as np
from jax import lax
from jax.experimental import pallas as pl
from jax.experimental.pallas import tpu as pltpu
from jax.experimental.pallas import tpu_sc as plsc

N = 10000
D = 128
E = 320000
EPS = 1e-5

CHUNK = 128
NC, NS = 2, 16
NW = NC * NS
NUM_CHUNKS = 2560
E_PAD = NUM_CHUNKS * CHUNK
CHUNKS_PER_TILE = NUM_CHUNKS // NW
ROWS_PER_TILE_SP = 632
N_SP = NS * ROWS_PER_TILE_SP
BLK = 5000
REAL_CHUNKS = E // CHUNK

_PAD_IOTA = np.arange(E_PAD - E, dtype=np.int32)
_PAD_EDGES = np.stack([
    (_PAD_IOTA % N).reshape(NUM_CHUNKS - REAL_CHUNKS, CHUNK),
    (N + _PAD_IOTA % (N_SP - N)).reshape(NUM_CHUNKS - REAL_CHUNKS, CHUNK),
])

def _linrelu_body(x_ref, wt_ref, b_ref, o_ref):
    acc = jnp.dot(x_ref[...], wt_ref[...], preferred_element_type=jnp.float32)
    o_ref[...] = jnp.maximum(acc + b_ref[...], 0.0)


def _linrelu(x, wt, b2):
    return pl.pallas_call(
        _linrelu_body,
        grid=(N // BLK,),
        in_specs=[
            pl.BlockSpec((BLK, D), lambda i: (i, 0)),
            pl.BlockSpec((D, D), lambda i: (0, 0)),
            pl.BlockSpec((1, D), lambda i: (0, 0)),
        ],
        out_specs=pl.BlockSpec((BLK, D), lambda i: (i, 0)),
        out_shape=jax.ShapeDtypeStruct((N, D), jnp.float32),
    )(x, wt, b2)


def _norm_body(x_ref, parts_ref, g_ref, bt_ref, o_ref):
    h = x_ref[...] + parts_ref[0] + parts_ref[1]
    ms = jnp.mean(h * h, axis=-1, keepdims=True)
    o_ref[...] = h * lax.rsqrt(ms + EPS) * g_ref[...] + bt_ref[...]


def _norm(x, parts, g2, beta2):
    return pl.pallas_call(
        _norm_body,
        grid=(N // BLK,),
        in_specs=[
            pl.BlockSpec((BLK, D), lambda i: (i, 0)),
            pl.BlockSpec((NC, BLK, D), lambda i: (0, i, 0)),
            pl.BlockSpec((1, D), lambda i: (0, 0)),
            pl.BlockSpec((1, D), lambda i: (0, 0)),
        ],
        out_specs=pl.BlockSpec((BLK, D), lambda i: (i, 0)),
        out_shape=jax.ShapeDtypeStruct((N, D), jnp.float32),
    )(x, parts, g2, beta2)


NB = 2
IB = 40
NIB = CHUNKS_PER_TILE // IB
INNER = IB // NB


@functools.partial(
    pl.kernel,
    out_type=jax.ShapeDtypeStruct((NC, N_SP, D), jnp.float32),
    mesh=plsc.VectorSubcoreMesh(core_axis_name="c", subcore_axis_name="s"),
    scratch_types=[
        pltpu.VMEM((IB, CHUNK), jnp.int32),
        pltpu.VMEM((IB, CHUNK), jnp.int32),
        pltpu.VMEM((NB, CHUNK, D), jnp.float32),
        pltpu.VMEM_SHARED((N_SP, D), jnp.float32),
        pltpu.SemaphoreType.DMA((NB,)),
    ],
)
def _sc_agg(m_hbm, esd_hbm, out_hbm, idx_s, idx_d, rows, shared, sem):
    c = lax.axis_index("c")
    s = lax.axis_index("s")
    wid = c * NS + s

    qb = wid * CHUNKS_PER_TILE
    pltpu.sync_copy(esd_hbm.at[0, pl.ds(qb, IB)], idx_s)
    pltpu.sync_copy(esd_hbm.at[1, pl.ds(qb, IB)], idx_d)

    @pl.loop(0, CHUNK)
    def _zrow(r):
        @pl.loop(0, D, step=16)
        def _zcol(col):
            rows[0, r, pl.ds(col, 16)] = jnp.zeros((16,), jnp.float32)

    zbase = s * ROWS_PER_TILE_SP

    @pl.loop(0, (ROWS_PER_TILE_SP // CHUNK) * CHUNK, step=CHUNK)
    def _zspm(r0):
        pltpu.sync_copy(rows.at[0], shared.at[pl.ds(zbase + r0, CHUNK)])

    _rem = ROWS_PER_TILE_SP % CHUNK
    pltpu.sync_copy(
        rows.at[0].at[pl.ds(0, _rem)],
        shared.at[pl.ds(zbase + (ROWS_PER_TILE_SP // CHUNK) * CHUNK, _rem)],
    )

    for b in range(NB):
        pltpu.async_copy(m_hbm.at[idx_s.at[b]], rows.at[b], sem.at[b])

    plsc.subcore_barrier()

    for blk in range(NIB):
        if blk > 0:
            pltpu.sync_copy(esd_hbm.at[0, pl.ds(qb + blk * IB, IB)], idx_s)
            pltpu.sync_copy(esd_hbm.at[1, pl.ds(qb + blk * IB, IB)], idx_d)
            for b in range(NB):
                pltpu.async_copy(m_hbm.at[idx_s.at[b]], rows.at[b], sem.at[b])

        @pl.loop(0, INNER - 1)
        def _edge(i):
            for b in range(NB):
                pltpu.make_async_copy(
                    m_hbm.at[idx_s.at[b]], rows.at[b], sem.at[b]).wait()
                pltpu.sync_copy(rows.at[b], shared.at[idx_d.at[i * NB + b]],
                                add=True)
                pltpu.async_copy(
                    m_hbm.at[idx_s.at[(i + 1) * NB + b]], rows.at[b],
                    sem.at[b])

        for b in range(NB):
            pltpu.make_async_copy(
                m_hbm.at[idx_s.at[b]], rows.at[b], sem.at[b]).wait()
            pltpu.sync_copy(rows.at[b],
                            shared.at[idx_d.at[(INNER - 1) * NB + b]],
                            add=True)

    plsc.subcore_barrier()

    obase = s * ROWS_PER_TILE_SP
    pltpu.sync_copy(
        shared.at[pl.ds(obase, ROWS_PER_TILE_SP)],
        out_hbm.at[c, pl.ds(obase, ROWS_PER_TILE_SP)],
    )


def kernel(x, edge_index, W, b, g, beta):
    wt = W.T
    b2 = b.reshape(1, D)
    g2 = g.reshape(1, D)
    beta2 = beta.reshape(1, D)
    m = _linrelu(x, wt, b2)
    esd = jnp.concatenate(
        [edge_index.reshape(2, REAL_CHUNKS, CHUNK), jnp.asarray(_PAD_EDGES)],
        axis=1)
    parts = _sc_agg(m, esd)
    return _norm(x, parts, g2, beta2)

# --- scband reference (transcript-rebuilt; emitter-appended) ---
"""Pipeline reference for scband-gconv-layer-15333033247245 (READ-ONLY COPY).

The authoritative reference and input builder live on the scoring server;
editing this copy changes nothing except your own understanding.
"""

import jax, jax.numpy as jnp
import numpy as np

N_NODES = 10000
N_EDGES = 320000
D = 128
EPS = 1e-5


def setup_inputs(seed: int = 0) -> dict:
    key = jax.random.key(seed)
    k1, k2, k3, k4 = jax.random.split(key, 4)
    x = jax.random.normal(k1, (N_NODES, D), dtype=jnp.float32)
    # edge_index[0] = src (j), edge_index[1] = dst (i); a[i, j] = 1 => edge j -> i
    edge_index = jax.random.randint(k2, (2, N_EDGES), 0, N_NODES, dtype=jnp.int32)
    # equinox nn.Linear(hidden, hidden) params: weight [out,in], bias [out], uniform(-1/sqrt(in), 1/sqrt(in))
    lim = 1.0 / np.sqrt(D)
    W = jax.random.uniform(k3, (D, D), minval=-lim, maxval=lim, dtype=jnp.float32)
    b = jax.random.uniform(k4, (D,), minval=-lim, maxval=lim, dtype=jnp.float32)
    # equinox nn.RMSNorm(D) defaults: use_weight=True, use_bias=True; weight=ones, bias=zeros
    g = jnp.ones((D,), dtype=jnp.float32)
    beta = jnp.zeros((D,), dtype=jnp.float32)
    return {"x": x, "edge_index": edge_index, "W": W, "b": b, "g": g, "beta": beta}


def reference(x, edge_index, W, b, g, beta):
    # m = vmap(linear)(x); relu
    m = x @ W.T + b
    m = jax.nn.relu(m)
    # a @ m with a[i, j] = 1 for each edge j -> i  ==  scatter-add of m[src] into dst rows
    src = edge_index[0]
    dst = edge_index[1]
    agg = jnp.zeros((N_NODES, D), dtype=m.dtype).at[dst].add(m[src])
    # x = vmap(RMSNorm)(x + agg)
    h = x + agg
    inv_rms = jax.lax.rsqrt(jnp.mean(h * h, axis=-1, keepdims=True) + EPS)
    out = (h * inv_rms) * g + beta
    return out

if __name__ == "__main__":
    import jax
    _d = setup_inputs()
    print(jax.jit(kernel)(*tuple(_d.values())))

</pallas_src>

<mosaic_0001>
#map = affine_map<(d0, d1) -> (0, 0)>
#map1 = affine_map<(d0, d1) -> (0, 0, 0)>
module attributes {stable_mosaic.version = 14 : i64} {
  func.func @_sc_agg(%arg0: i32, %arg1: i32, %arg2: memref<10000x128xf32, #tpu.memory_space<hbm>>, %arg3: memref<2x2560x128xi32, #tpu.memory_space<hbm>>, %arg4: memref<2x10112x128xf32, #tpu.memory_space<hbm>>, %arg5: memref<40x128xi32, #tpu.memory_space<vmem>>, %arg6: memref<40x128xi32, #tpu.memory_space<vmem>>, %arg7: memref<2x128x128xf32, #tpu.memory_space<vmem>>, %arg8: memref<10112x128xf32, #tpu.memory_space<vmem_shared>>, %arg9: memref<2x!tpu.dma_semaphore, #tpu.memory_space<semaphore_mem>>) attributes {dimension_semantics = [#tpu.dimension_semantics<core_parallel>, #tpu.dimension_semantics<subcore_parallel>], iteration_bounds = array<i64: 2, 16>, scalar_prefetch = 0 : i64, scratch_operands = 5 : i64, tpu.core_type = #tpu.core_type<sc_vector_subcore>, window_params = [{transform_indices = #map}, {transform_indices = #map1}, {transform_indices = #map1}]} {
    %mul3A = arith.constant 16 : i32
    %mul3A_0 = arith.muli %arg0, %mul3A : i32
    %add3A = arith.addi %mul3A_0, %arg1 : i32
    %mul3A_1 = arith.constant 80 : i32
    %mul3A_2 = arith.muli %add3A, %mul3A_1 : i32
    %run_scoped3A = arith.constant 0 : i32
    "tpu.region"() ({
      %run_scoped3A_163 = tpu.sem_alloc : memref<!tpu.dma_semaphore, #tpu.memory_space<semaphore_mem>>
      %dma_start3A_164 = arith.constant 0 : i32
      %dma_start3A_165 = tpu.memref_slice %arg3[%run_scoped3A, %mul3A_2, %dma_start3A_164] : memref<2x2560x128xi32, #tpu.memory_space<hbm>> -> memref<1x40x128xi32, #tpu.memory_space<hbm>>
      %dma_start3A_166 = tpu.memref_squeeze %dma_start3A_165 : memref<1x40x128xi32, #tpu.memory_space<hbm>> -> memref<40x128xi32, #tpu.memory_space<hbm>>
      %dma_start3A_167 = arith.constant 0 : i32
      %dma_start3A_168 = tpu.memref_slice %arg3[%run_scoped3A, %mul3A_2, %dma_start3A_167] : memref<2x2560x128xi32, #tpu.memory_space<hbm>> -> memref<1x40x128xi32, #tpu.memory_space<hbm>>
      %dma_start3A_169 = tpu.memref_squeeze %dma_start3A_168 : memref<1x40x128xi32, #tpu.memory_space<hbm>> -> memref<40x128xi32, #tpu.memory_space<hbm>>
      tpu.enqueue_dma source(%dma_start3A_169 : memref<40x128xi32, #tpu.memory_space<hbm>>) target(%arg5 : memref<40x128xi32, #tpu.memory_space<vmem>>) target_semaphore(%run_scoped3A_163 : memref<!tpu.dma_semaphore, #tpu.memory_space<semaphore_mem>>)
      %dma_wait3A_170 = arith.constant 0 : i32
      %dma_wait3A_171 = tpu.memref_slice %arg3[%run_scoped3A, %mul3A_2, %dma_wait3A_170] : memref<2x2560x128xi32, #tpu.memory_space<hbm>> -> memref<1x40x128xi32, #tpu.memory_space<hbm>>
      %dma_wait3A_172 = tpu.memref_squeeze %dma_wait3A_171 : memref<1x40x128xi32, #tpu.memory_space<hbm>> -> memref<40x128xi32, #tpu.memory_space<hbm>>
      %dma_wait3A_173 = arith.constant 0 : i32
      %dma_wait3A_174 = tpu.memref_slice %arg3[%run_scoped3A, %mul3A_2, %dma_wait3A_173] : memref<2x2560x128xi32, #tpu.memory_space<hbm>> -> memref<1x40x128xi32, #tpu.memory_space<hbm>>
      %dma_wait3A_175 = tpu.memref_squeeze %dma_wait3A_174 : memref<1x40x128xi32, #tpu.memory_space<hbm>> -> memref<40x128xi32, #tpu.memory_space<hbm>>
      tpu.wait_dma2 semaphore(%run_scoped3A_163 : memref<!tpu.dma_semaphore, #tpu.memory_space<semaphore_mem>>) src(%dma_wait3A_175 : memref<40x128xi32, #tpu.memory_space<hbm>>) dst(%arg5 : memref<40x128xi32, #tpu.memory_space<vmem>>)
      tpu.yield
    }) : () -> ()
    %run_scoped3A_3 = arith.constant 1 : i32
    "tpu.region"() ({
      %run_scoped3A_163 = tpu.sem_alloc : memref<!tpu.dma_semaphore, #tpu.memory_space<semaphore_mem>>
      %dma_start3A_164 = arith.constant 0 : i32
      %dma_start3A_165 = tpu.memref_slice %arg3[%run_scoped3A_3, %mul3A_2, %dma_start3A_164] : memref<2x2560x128xi32, #tpu.memory_space<hbm>> -> memref<1x40x128xi32, #tpu.memory_space<hbm>>
      %dma_start3A_166 = tpu.memref_squeeze %dma_start3A_165 : memref<1x40x128xi32, #tpu.memory_space<hbm>> -> memref<40x128xi32, #tpu.memory_space<hbm>>
      %dma_start3A_167 = arith.constant 0 : i32
      %dma_start3A_168 = tpu.memref_slice %arg3[%run_scoped3A_3, %mul3A_2, %dma_start3A_167] : memref<2x2560x128xi32, #tpu.memory_space<hbm>> -> memref<1x40x128xi32, #tpu.memory_space<hbm>>
      %dma_start3A_169 = tpu.memref_squeeze %dma_start3A_168 : memref<1x40x128xi32, #tpu.memory_space<hbm>> -> memref<40x128xi32, #tpu.memory_space<hbm>>
      tpu.enqueue_dma source(%dma_start3A_169 : memref<40x128xi32, #tpu.memory_space<hbm>>) target(%arg6 : memref<40x128xi32, #tpu.memory_space<vmem>>) target_semaphore(%run_scoped3A_163 : memref<!tpu.dma_semaphore, #tpu.memory_space<semaphore_mem>>)
      %dma_wait3A_170 = arith.constant 0 : i32
      %dma_wait3A_171 = tpu.memref_slice %arg3[%run_scoped3A_3, %mul3A_2, %dma_wait3A_170] : memref<2x2560x128xi32, #tpu.memory_space<hbm>> -> memref<1x40x128xi32, #tpu.memory_space<hbm>>
      %dma_wait3A_172 = tpu.memref_squeeze %dma_wait3A_171 : memref<1x40x128xi32, #tpu.memory_space<hbm>> -> memref<40x128xi32, #tpu.memory_space<hbm>>
      %dma_wait3A_173 = arith.constant 0 : i32
      %dma_wait3A_174 = tpu.memref_slice %arg3[%run_scoped3A_3, %mul3A_2, %dma_wait3A_173] : memref<2x2560x128xi32, #tpu.memory_space<hbm>> -> memref<1x40x128xi32, #tpu.memory_space<hbm>>
      %dma_wait3A_175 = tpu.memref_squeeze %dma_wait3A_174 : memref<1x40x128xi32, #tpu.memory_space<hbm>> -> memref<40x128xi32, #tpu.memory_space<hbm>>
      tpu.wait_dma2 semaphore(%run_scoped3A_163 : memref<!tpu.dma_semaphore, #tpu.memory_space<semaphore_mem>>) src(%dma_wait3A_175 : memref<40x128xi32, #tpu.memory_space<hbm>>) dst(%arg6 : memref<40x128xi32, #tpu.memory_space<vmem>>)
      tpu.yield
    }) : () -> ()
    %scan3A = arith.constant 0 : i32
    %scan3A_4 = arith.constant 128 : i32
    %scan3A_5 = arith.addi %scan3A, %scan3A_4 : i32
    %scan3A_6 = arith.constant 1 : i32
    scf.for %scan3A_163 = %scan3A to %scan3A_5 step %scan3A_6  : i32 {
      %mul3A_164 = arith.constant 1 : i32
      %mul3A_165 = arith.muli %scan3A_163, %mul3A_164 : i32
      %add3A_166 = arith.constant 0 : i32
      %add3A_167 = arith.addi %add3A_166, %mul3A_165 : i32
      %scan3A_168 = arith.constant 0 : i32
      %scan3A_169 = arith.constant 8 : i32
      %scan3A_170 = arith.addi %scan3A_168, %scan3A_169 : i32
      %scan3A_171 = arith.constant 1 : i32
      scf.for %scan3A_173 = %scan3A_168 to %scan3A_170 step %scan3A_171  : i32 {
        %mul3A_174 = arith.constant 16 : i32
        %mul3A_175 = arith.muli %scan3A_173, %mul3A_174 : i32
        %add3A_176 = arith.constant 0 : i32
        %add3A_177 = arith.addi %add3A_176, %mul3A_175 : i32
        %broadcast_in_dim3A = arith.constant 0.000000e+00 : f32
        %broadcast_in_dim3A_178 = vector.broadcast %broadcast_in_dim3A : f32 to vector<16xf32>
        %swap3A = arith.constant 0 : i32
        %swap3A_179 = arith.index_cast %swap3A : i32 to index
        %swap3A_180 = arith.index_cast %add3A_167 : i32 to index
        %swap3A_181 = arith.index_cast %add3A_177 : i32 to index
        %swap3A_182 = tpu.vector_load %arg7[%swap3A_179, %swap3A_180, %swap3A_181] {strides = array<i32>} : memref<2x128x128xf32, #tpu.memory_space<vmem>>, vector<1x1x16xf32>,
        %swap3A_183 = vector.shape_cast %swap3A_182 : vector<1x1x16xf32> to vector<16xf32>
        %swap3A_184 = vector.shape_cast %broadcast_in_dim3A_178 : vector<16xf32> to vector<1x1x16xf32>
        tpu.vector_store %arg7[%swap3A_179, %swap3A_180, %swap3A_181], %swap3A_184 {strides = array<i32>} : memref<2x128x128xf32, #tpu.memory_space<vmem>>, vector<1x1x16xf32>,
      }
      %scan3A_172 = arith.constant 8 : i32
    }
    %scan3A_7 = arith.constant 128 : i32
    %mul3A_8 = arith.constant 632 : i32
    %mul3A_9 = arith.muli %arg1, %mul3A_8 : i32
    %scan3A_10 = arith.constant 0 : i32
    %scan3A_11 = arith.constant 4 : i32
    %scan3A_12 = arith.addi %scan3A_10, %scan3A_11 : i32
    %scan3A_13 = arith.constant 1 : i32
    scf.for %scan3A_163 = %scan3A_10 to %scan3A_12 step %scan3A_13  : i32 {
      %mul3A_164 = arith.constant 128 : i32
      %mul3A_165 = arith.muli %scan3A_163, %mul3A_164 : i32
      %add3A_166 = arith.constant 0 : i32
      %add3A_167 = arith.addi %add3A_166, %mul3A_165 : i32
      %add3A_168 = arith.addi %mul3A_9, %add3A_167 : i32
      %run_scoped3A_169 = arith.constant 0 : i32
      "tpu.region"() ({
        %run_scoped3A_170 = tpu.sem_alloc : memref<!tpu.dma_semaphore, #tpu.memory_space<semaphore_mem>>
        %dma_start3A_171 = arith.constant 0 : i32
        %dma_start3A_172 = arith.constant 0 : i32
        %dma_start3A_173 = tpu.memref_slice %arg7[%run_scoped3A_169, %dma_start3A_171, %dma_start3A_172] : memref<2x128x128xf32, #tpu.memory_space<vmem>> -> memref<1x128x128xf32, #tpu.memory_space<vmem>>
        %dma_start3A_174 = tpu.memref_squeeze %dma_start3A_173 : memref<1x128x128xf32, #tpu.memory_space<vmem>> -> memref<128x128xf32, #tpu.memory_space<vmem>>
        %dma_start3A_175 = arith.constant 0 : i32
        %dma_start3A_176 = tpu.memref_slice %arg8[%add3A_168, %dma_start3A_175] : memref<10112x128xf32, #tpu.memory_space<vmem_shared>> -> memref<128x128xf32, #tpu.memory_space<vmem_shared>>
        %dma_start3A_177 = arith.constant 0 : i32
        %dma_start3A_178 = tpu.memref_slice %arg8[%add3A_168, %dma_start3A_177] : memref<10112x128xf32, #tpu.memory_space<vmem_shared>> -> memref<128x128xf32, #tpu.memory_space<vmem_shared>>
        %dma_start3A_179 = arith.constant 0 : i32
        %dma_start3A_180 = arith.constant 0 : i32
        %dma_start3A_181 = tpu.memref_slice %arg7[%run_scoped3A_169, %dma_start3A_179, %dma_start3A_180] : memref<2x128x128xf32, #tpu.memory_space<vmem>> -> memref<1x128x128xf32, #tpu.memory_space<vmem>>
        %dma_start3A_182 = tpu.memref_squeeze %dma_start3A_181 : memref<1x128x128xf32, #tpu.memory_space<vmem>> -> memref<128x128xf32, #tpu.memory_space<vmem>>
        tpu.enqueue_dma source(%dma_start3A_182 : memref<128x128xf32, #tpu.memory_space<vmem>>) target(%dma_start3A_178 : memref<128x128xf32, #tpu.memory_space<vmem_shared>>) target_semaphore(%run_scoped3A_170 : memref<!tpu.dma_semaphore, #tpu.memory_space<semaphore_mem>>)
        %dma_wait3A_183 = arith.constant 0 : i32
        %dma_wait3A_184 = arith.constant 0 : i32
        %dma_wait3A_185 = tpu.memref_slice %arg7[%run_scoped3A_169, %dma_wait3A_183, %dma_wait3A_184] : memref<2x128x128xf32, #tpu.memory_space<vmem>> -> memref<1x128x128xf32, #tpu.memory_space<vmem>>
        %dma_wait3A_186 = tpu.memref_squeeze %dma_wait3A_185 : memref<1x128x128xf32, #tpu.memory_space<vmem>> -> memref<128x128xf32, #tpu.memory_space<vmem>>
        %dma_wait3A_187 = arith.constant 0 : i32
        %dma_wait3A_188 = tpu.memref_slice %arg8[%add3A_168, %dma_wait3A_187] : memref<10112x128xf32, #tpu.memory_space<vmem_shared>> -> memref<128x128xf32, #tpu.memory_space<vmem_shared>>
        %dma_wait3A_189 = arith.constant 0 : i32
        %dma_wait3A_190 = tpu.memref_slice %arg8[%add3A_168, %dma_wait3A_189] : memref<10112x128xf32, #tpu.memory_space<vmem_shared>> -> memref<128x128xf32, #tpu.memory_space<vmem_shared>>
        %dma_wait3A_191 = arith.constant 0 : i32
        %dma_wait3A_192 = arith.constant 0 : i32
        %dma_wait3A_193 = tpu.memref_slice %arg7[%run_scoped3A_169, %dma_wait3A_191, %dma_wait3A_192] : memref<2x128x128xf32, #tpu.memory_space<vmem>> -> memref<1x128x128xf32, #tpu.memory_space<vmem>>
        %dma_wait3A_194 = tpu.memref_squeeze %dma_wait3A_193 : memref<1x128x128xf32, #tpu.memory_space<vmem>> -> memref<128x128xf32, #tpu.memory_space<vmem>>
        tpu.wait_dma2 semaphore(%run_scoped3A_170 : memref<!tpu.dma_semaphore, #tpu.memory_space<semaphore_mem>>) src(%dma_wait3A_194 : memref<128x128xf32, #tpu.memory_space<vmem>>) dst(%dma_wait3A_190 : memref<128x128xf32, #tpu.memory_space<vmem_shared>>)
        tpu.yield
      }) : () -> ()
    }
    %scan3A_14 = arith.constant 4 : i32
    %add3A_15 = arith.constant 512 : i32
    %add3A_16 = arith.addi %mul3A_9, %add3A_15 : i32
    %run_scoped3A_17 = arith.constant 0 : i32
    "tpu.region"() ({
      %run_scoped3A_163 = tpu.sem_alloc : memref<!tpu.dma_semaphore, #tpu.memory_space<semaphore_mem>>
      %dma_start3A_164 = arith.constant 0 : i32
      %dma_start3A_165 = arith.constant 0 : i32
      %dma_start3A_166 = tpu.memref_slice %arg7[%run_scoped3A_17, %dma_start3A_164, %dma_start3A_165] : memref<2x128x128xf32, #tpu.memory_space<vmem>> -> memref<1x128x128xf32, #tpu.memory_space<vmem>>
      %dma_start3A_167 = tpu.memref_squeeze %dma_start3A_166 : memref<1x128x128xf32, #tpu.memory_space<vmem>> -> memref<128x128xf32, #tpu.memory_space<vmem>>
      %dma_start3A_168 = arith.constant 0 : i32
      %dma_start3A_169 = arith.constant 0 : i32
      %dma_start3A_170 = tpu.memref_slice %dma_start3A_167[%dma_start3A_168, %dma_start3A_169] : memref<128x128xf32, #tpu.memory_space<vmem>> -> memref<120x128xf32, #tpu.memory_space<vmem>>
      %dma_start3A_171 = arith.constant 0 : i32
      %dma_start3A_172 = tpu.memref_slice %arg8[%add3A_16, %dma_start3A_171] : memref<10112x128xf32, #tpu.memory_space<vmem_shared>> -> memref<120x128xf32, #tpu.memory_space<vmem_shared>>
      %dma_start3A_173 = arith.constant 0 : i32
      %dma_start3A_174 = tpu.memref_slice %arg8[%add3A_16, %dma_start3A_173] : memref<10112x128xf32, #tpu.memory_space<vmem_shared>> -> memref<120x128xf32, #tpu.memory_space<vmem_shared>>
      %dma_start3A_175 = arith.constant 0 : i32
      %dma_start3A_176 = arith.constant 0 : i32
      %dma_start3A_177 = tpu.memref_slice %arg7[%run_scoped3A_17, %dma_start3A_175, %dma_start3A_176] : memref<2x128x128xf32, #tpu.memory_space<vmem>> -> memref<1x128x128xf32, #tpu.memory_space<vmem>>
      %dma_start3A_178 = tpu.memref_squeeze %dma_start3A_177 : memref<1x128x128xf32, #tpu.memory_space<vmem>> -> memref<128x128xf32, #tpu.memory_space<vmem>>
      %dma_start3A_179 = arith.constant 0 : i32
      %dma_start3A_180 = arith.constant 0 : i32
      %dma_start3A_181 = tpu.memref_slice %dma_start3A_178[%dma_start3A_179, %dma_start3A_180] : memref<128x128xf32, #tpu.memory_space<vmem>> -> memref<120x128xf32, #tpu.memory_space<vmem>>
      tpu.enqueue_dma source(%dma_start3A_181 : memref<120x128xf32, #tpu.memory_space<vmem>>) target(%dma_start3A_174 : memref<120x128xf32, #tpu.memory_space<vmem_shared>>) target_semaphore(%run_scoped3A_163 : memref<!tpu.dma_semaphore, #tpu.memory_space<semaphore_mem>>)
      %dma_wait3A_182 = arith.constant 0 : i32
      %dma_wait3A_183 = arith.constant 0 : i32
      %dma_wait3A_184 = tpu.memref_slice %arg7[%run_scoped3A_17, %dma_wait3A_182, %dma_wait3A_183] : memref<2x128x128xf32, #tpu.memory_space<vmem>> -> memref<1x128x128xf32, #tpu.memory_space<vmem>>
      %dma_wait3A_185 = tpu.memref_squeeze %dma_wait3A_184 : memref<1x128x128xf32, #tpu.memory_space<vmem>> -> memref<128x128xf32, #tpu.memory_space<vmem>>
      %dma_wait3A_186 = arith.constant 0 : i32
      %dma_wait3A_187 = arith.constant 0 : i32
      %dma_wait3A_188 = tpu.memref_slice %dma_wait3A_185[%dma_wait3A_186, %dma_wait3A_187] : memref<128x128xf32, #tpu.memory_space<vmem>> -> memref<120x128xf32, #tpu.memory_space<vmem>>
      %dma_wait3A_189 = arith.constant 0 : i32
      %dma_wait3A_190 = tpu.memref_slice %arg8[%add3A_16, %dma_wait3A_189] : memref<10112x128xf32, #tpu.memory_space<vmem_shared>> -> memref<120x128xf32, #tpu.memory_space<vmem_shared>>
      %dma_wait3A_191 = arith.constant 0 : i32
      %dma_wait3A_192 = tpu.memref_slice %arg8[%add3A_16, %dma_wait3A_191] : memref<10112x128xf32, #tpu.memory_space<vmem_shared>> -> memref<120x128xf32, #tpu.memory_space<vmem_shared>>
      %dma_wait3A_193 = arith.constant 0 : i32
      %dma_wait3A_194 = arith.constant 0 : i32
      %dma_wait3A_195 = tpu.memref_slice %arg7[%run_scoped3A_17, %dma_wait3A_193, %dma_wait3A_194] : memref<2x128x128xf32, #tpu.memory_space<vmem>> -> memref<1x128x128xf32, #tpu.memory_space<vmem>>
      %dma_wait3A_196 = tpu.memref_squeeze %dma_wait3A_195 : memref<1x128x128xf32, #tpu.memory_space<vmem>> -> memref<128x128xf32, #tpu.memory_space<vmem>>
      %dma_wait3A_197 = arith.constant 0 : i32
      %dma_wait3A_198 = arith.constant 0 : i32
      %dma_wait3A_199 = tpu.memref_slice %dma_wait3A_196[%dma_wait3A_197, %dma_wait3A_198] : memref<128x128xf32, #tpu.memory_space<vmem>> -> memref<120x128xf32, #tpu.memory_space<vmem>>
      tpu.wait_dma2 semaphore(%run_scoped3A_163 : memref<!tpu.dma_semaphore, #tpu.memory_space<semaphore_mem>>) src(%dma_wait3A_199 : memref<120x128xf32, #tpu.memory_space<vmem>>) dst(%dma_wait3A_192 : memref<120x128xf32, #tpu.memory_space<vmem_shared>>)
      tpu.yield
    }) : () -> ()
    %dma_start3A = arith.constant 0 : i32
    %dma_start3A_18 = arith.constant 0 : i32
    %dma_start3A_19 = arith.constant 0 : i32
    %dma_start3A_20 = arith.constant 0 : i32
    %dma_start3A_21 = arith.constant 0 : i32
    %dma_start3A_22 = tpu.memref_slice %arg7[%dma_start3A_18, %dma_start3A_20, %dma_start3A_21] : memref<2x128x128xf32, #tpu.memory_space<vmem>> -> memref<1x128x128xf32, #tpu.memory_space<vmem>>
    %dma_start3A_23 = tpu.memref_squeeze %dma_start3A_22 : memref<1x128x128xf32, #tpu.memory_space<vmem>> -> memref<128x128xf32, #tpu.memory_space<vmem>>
    %dma_start3A_24 = arith.constant 0 : i32
    %dma_start3A_25 = tpu.memref_slice %arg5[%dma_start3A, %dma_start3A_24] : memref<40x128xi32, #tpu.memory_space<vmem>> -> memref<1x128xi32, #tpu.memory_space<vmem>>
    %dma_start3A_26 = tpu.memref_squeeze %dma_start3A_25 : memref<1x128xi32, #tpu.memory_space<vmem>> -> memref<128xi32, #tpu.memory_space<vmem>>
    %dma_start3A_27 = arith.constant 0 : i32
    %dma_start3A_28 = arith.constant 0 : i32
    %dma_start3A_29 = tpu.memref_slice %arg2[%dma_start3A_27, %dma_start3A_28] : memref<10000x128xf32, #tpu.memory_space<hbm>> -> memref<10000x128xf32, #tpu.memory_space<hbm>>
    %dma_start3A_30 = tpu.memref_slice %arg9[%dma_start3A_19] : memref<2x!tpu.dma_semaphore, #tpu.memory_space<semaphore_mem>> -> memref<1x!tpu.dma_semaphore, #tpu.memory_space<semaphore_mem>>
    %dma_start3A_31 = tpu.memref_squeeze %dma_start3A_30 : memref<1x!tpu.dma_semaphore, #tpu.memory_space<semaphore_mem>> -> memref<!tpu.dma_semaphore, #tpu.memory_space<semaphore_mem>>
    tpu.enqueue_indirect_dma source(%dma_start3A_29 : memref<10000x128xf32, #tpu.memory_space<hbm>>) target(%dma_start3A_23 : memref<128x128xf32, #tpu.memory_space<vmem>>) offsets(%dma_start3A_26 : memref<128xi32, #tpu.memory_space<vmem>>) semaphore(%dma_start3A_31 : memref<!tpu.dma_semaphore, #tpu.memory_space<semaphore_mem>>)
    %dma_start3A_32 = arith.constant 1 : i32
    %dma_start3A_33 = arith.constant 1 : i32
    %dma_start3A_34 = arith.constant 1 : i32
    %dma_start3A_35 = arith.constant 0 : i32
    %dma_start3A_36 = arith.constant 0 : i32
    %dma_start3A_37 = tpu.memref_slice %arg7[%dma_start3A_33, %dma_start3A_35, %dma_start3A_36] : memref<2x128x128xf32, #tpu.memory_space<vmem>> -> memref<1x128x128xf32, #tpu.memory_space<vmem>>
    %dma_start3A_38 = tpu.memref_squeeze %dma_start3A_37 : memref<1x128x128xf32, #tpu.memory_space<vmem>> -> memref<128x128xf32, #tpu.memory_space<vmem>>
    %dma_start3A_39 = arith.constant 0 : i32
    %dma_start3A_40 = tpu.memref_slice %arg5[%dma_start3A_32, %dma_start3A_39] : memref<40x128xi32, #tpu.memory_space<vmem>> -> memref<1x128xi32, #tpu.memory_space<vmem>>
    %dma_start3A_41 = tpu.memref_squeeze %dma_start3A_40 : memref<1x128xi32, #tpu.memory_space<vmem>> -> memref<128xi32, #tpu.memory_space<vmem>>
    %dma_start3A_42 = arith.constant 0 : i32
    %dma_start3A_43 = arith.constant 0 : i32
    %dma_start3A_44 = tpu.memref_slice %arg2[%dma_start3A_42, %dma_start3A_43] : memref<10000x128xf32, #tpu.memory_space<hbm>> -> memref<10000x128xf32, #tpu.memory_space<hbm>>
    %dma_start3A_45 = tpu.memref_slice %arg9[%dma_start3A_34] : memref<2x!tpu.dma_semaphore, #tpu.memory_space<semaphore_mem>> -> memref<1x!tpu.dma_semaphore, #tpu.memory_space<semaphore_mem>>
    %dma_start3A_46 = tpu.memref_squeeze %dma_start3A_45 : memref<1x!tpu.dma_semaphore, #tpu.memory_space<semaphore_mem>> -> memref<!tpu.dma_semaphore, #tpu.memory_space<semaphore_mem>>
    tpu.enqueue_indirect_dma source(%dma_start3A_44 : memref<10000x128xf32, #tpu.memory_space<hbm>>) target(%dma_start3A_38 : memref<128x128xf32, #tpu.memory_space<vmem>>) offsets(%dma_start3A_41 : memref<128xi32, #tpu.memory_space<vmem>>) semaphore(%dma_start3A_46 : memref<!tpu.dma_semaphore, #tpu.memory_space<semaphore_mem>>)
    %barrier3A = arith.constant 0 : index
    tpu.barrier barrier_id(%barrier3A)
    %scan3A_47 = arith.constant 0 : i32
    %scan3A_48 = arith.constant 19 : i32
    %scan3A_49 = arith.addi %scan3A_47, %scan3A_48 : i32
    %scan3A_50 = arith.constant 1 : i32
    scf.for %scan3A_163 = %scan3A_47 to %scan3A_49 step %scan3A_50  : i32 {
      %mul3A_164 = arith.constant 1 : i32
      %mul3A_165 = arith.muli %scan3A_163, %mul3A_164 : i32
      %add3A_166 = arith.constant 0 : i32
      %add3A_167 = arith.addi %add3A_166, %mul3A_165 : i32
      %dma_wait3A_168 = arith.constant 0 : i32
      %dma_wait3A_169 = arith.constant 0 : i32
      %dma_wait3A_170 = arith.constant 0 : i32
      %dma_wait3A_171 = arith.constant 0 : i32
      %dma_wait3A_172 = arith.constant 0 : i32
      %dma_wait3A_173 = tpu.memref_slice %arg7[%dma_wait3A_169, %dma_wait3A_171, %dma_wait3A_172] : memref<2x128x128xf32, #tpu.memory_space<vmem>> -> memref<1x128x128xf32, #tpu.memory_space<vmem>>
      %dma_wait3A_174 = tpu.memref_squeeze %dma_wait3A_173 : memref<1x128x128xf32, #tpu.memory_space<vmem>> -> memref<128x128xf32, #tpu.memory_space<vmem>>
      %dma_wait3A_175 = arith.constant 0 : i32
      %dma_wait3A_176 = tpu.memref_slice %arg5[%dma_wait3A_168, %dma_wait3A_175] : memref<40x128xi32, #tpu.memory_space<vmem>> -> memref<1x128xi32, #tpu.memory_space<vmem>>
      %dma_wait3A_177 = tpu.memref_squeeze %dma_wait3A_176 : memref<1x128xi32, #tpu.memory_space<vmem>> -> memref<128xi32, #tpu.memory_space<vmem>>
      %dma_wait3A_178 = arith.constant 0 : i32
      %dma_wait3A_179 = arith.constant 0 : i32
      %dma_wait3A_180 = tpu.memref_slice %arg2[%dma_wait3A_178, %dma_wait3A_179] : memref<10000x128xf32, #tpu.memory_space<hbm>> -> memref<10000x128xf32, #tpu.memory_space<hbm>>
      %dma_wait3A_181 = tpu.memref_slice %arg9[%dma_wait3A_170] : memref<2x!tpu.dma_semaphore, #tpu.memory_space<semaphore_mem>> -> memref<1x!tpu.dma_semaphore, #tpu.memory_space<semaphore_mem>>
      %dma_wait3A_182 = tpu.memref_squeeze %dma_wait3A_181 : memref<1x!tpu.dma_semaphore, #tpu.memory_space<semaphore_mem>> -> memref<!tpu.dma_semaphore, #tpu.memory_space<semaphore_mem>>
      tpu.wait_indirect_dma semaphore(%dma_wait3A_182 : memref<!tpu.dma_semaphore, #tpu.memory_space<semaphore_mem>>) src(%dma_wait3A_180 : memref<10000x128xf32, #tpu.memory_space<hbm>>) dst(%dma_wait3A_174 : memref<128x128xf32, #tpu.memory_space<vmem>>)
      %mul3A_183 = arith.constant 2 : i32
      %mul3A_184 = arith.muli %add3A_167, %mul3A_183 : i32
      %add3A_185 = arith.constant 0 : i32
      %add3A_186 = arith.addi %mul3A_184, %add3A_185 : i32
      %run_scoped3A_187 = arith.constant 0 : i32
      "tpu.region"() ({
        %run_scoped3A_248 = tpu.sem_alloc : memref<!tpu.dma_semaphore, #tpu.memory_space<semaphore_mem>>
        %dma_start3A_249 = arith.constant 0 : i32
        %dma_start3A_250 = arith.constant 0 : i32
        %dma_start3A_251 = tpu.memref_slice %arg7[%run_scoped3A_187, %dma_start3A_249, %dma_start3A_250] : memref<2x128x128xf32, #tpu.memory_space<vmem>> -> memref<1x128x128xf32, #tpu.memory_space<vmem>>
        %dma_start3A_252 = tpu.memref_squeeze %dma_start3A_251 : memref<1x128x128xf32, #tpu.memory_space<vmem>> -> memref<128x128xf32, #tpu.memory_space<vmem>>
        %dma_start3A_253 = arith.constant 0 : i32
        %dma_start3A_254 = tpu.memref_slice %arg6[%add3A_186, %dma_start3A_253] : memref<40x128xi32, #tpu.memory_space<vmem>> -> memref<1x128xi32, #tpu.memory_space<vmem>>
        %dma_start3A_255 = tpu.memref_squeeze %dma_start3A_254 : memref<1x128xi32, #tpu.memory_space<vmem>> -> memref<128xi32, #tpu.memory_space<vmem>>
        %dma_start3A_256 = arith.constant 0 : i32
        %dma_start3A_257 = arith.constant 0 : i32
        %dma_start3A_258 = tpu.memref_slice %arg8[%dma_start3A_256, %dma_start3A_257] : memref<10112x128xf32, #tpu.memory_space<vmem_shared>> -> memref<10112x128xf32, #tpu.memory_space<vmem_shared>>
        tpu.enqueue_indirect_dma source(%dma_start3A_252 : memref<128x128xf32, #tpu.memory_space<vmem>>) target(%dma_start3A_258 : memref<10112x128xf32, #tpu.memory_space<vmem_shared>>) offsets(%dma_start3A_255 : memref<128xi32, #tpu.memory_space<vmem>>) semaphore(%run_scoped3A_248 : memref<!tpu.dma_semaphore, #tpu.memory_space<semaphore_mem>>) {add = true}
        %dma_wait3A_259 = arith.constant 0 : i32
        %dma_wait3A_260 = arith.constant 0 : i32
        %dma_wait3A_261 = tpu.memref_slice %arg7[%run_scoped3A_187, %dma_wait3A_259, %dma_wait3A_260] : memref<2x128x128xf32, #tpu.memory_space<vmem>> -> memref<1x128x128xf32, #tpu.memory_space<vmem>>
        %dma_wait3A_262 = tpu.memref_squeeze %dma_wait3A_261 : memref<1x128x128xf32, #tpu.memory_space<vmem>> -> memref<128x128xf32, #tpu.memory_space<vmem>>
        %dma_wait3A_263 = arith.constant 0 : i32
        %dma_wait3A_264 = tpu.memref_slice %arg6[%add3A_186, %dma_wait3A_263] : memref<40x128xi32, #tpu.memory_space<vmem>> -> memref<1x128xi32, #tpu.memory_space<vmem>>
        %dma_wait3A_265 = tpu.memref_squeeze %dma_wait3A_264 : memref<1x128xi32, #tpu.memory_space<vmem>> -> memref<128xi32, #tpu.memory_space<vmem>>
        %dma_wait3A_266 = arith.constant 0 : i32
        %dma_wait3A_267 = arith.constant 0 : i32
        %dma_wait3A_268 = tpu.memref_slice %arg8[%dma_wait3A_266, %dma_wait3A_267] : memref<10112x128xf32, #tpu.memory_space<vmem_shared>> -> memref<10112x128xf32, #tpu.memory_space<vmem_shared>>
        tpu.wait_indirect_dma semaphore(%run_scoped3A_248 : memref<!tpu.dma_semaphore, #tpu.memory_space<semaphore_mem>>) src(%dma_wait3A_262 : memref<128x128xf32, #tpu.memory_space<vmem>>) dst(%dma_wait3A_268 : memref<10112x128xf32, #tpu.memory_space<vmem_shared>>)
        tpu.yield
      }) : () -> ()
      %add3A_188 = arith.constant 1 : i32
      %add3A_189 = arith.addi %add3A_167, %add3A_188 : i32
      %mul3A_190 = arith.constant 2 : i32
      %mul3A_191 = arith.muli %add3A_189, %mul3A_190 : i32
      %add3A_192 = arith.constant 0 : i32
      %add3A_193 = arith.addi %mul3A_191, %add3A_192 : i32
      %dma_start3A_194 = arith.constant 0 : i32
      %dma_start3A_195 = arith.constant 0 : i32
      %dma_start3A_196 = arith.constant 0 : i32
      %dma_start3A_197 = arith.constant 0 : i32
      %dma_start3A_198 = tpu.memref_slice %arg7[%dma_start3A_194, %dma_start3A_196, %dma_start3A_197] : memref<2x128x128xf32, #tpu.memory_space<vmem>> -> memref<1x128x128xf32, #tpu.memory_space<vmem>>
      %dma_start3A_199 = tpu.memref_squeeze %dma_start3A_198 : memref<1x128x128xf32, #tpu.memory_space<vmem>> -> memref<128x128xf32, #tpu.memory_space<vmem>>
      %dma_start3A_200 = arith.constant 0 : i32
      %dma_start3A_201 = tpu.memref_slice %arg5[%add3A_193, %dma_start3A_200] : memref<40x128xi32, #tpu.memory_space<vmem>> -> memref<1x128xi32, #tpu.memory_space<vmem>>
      %dma_start3A_202 = tpu.memref_squeeze %dma_start3A_201 : memref<1x128xi32, #tpu.memory_space<vmem>> -> memref<128xi32, #tpu.memory_space<vmem>>
      %dma_start3A_203 = arith.constant 0 : i32
      %dma_start3A_204 = arith.constant 0 : i32
      %dma_start3A_205 = tpu.memref_slice %arg2[%dma_start3A_203, %dma_start3A_204] : memref<10000x128xf32, #tpu.memory_space<hbm>> -> memref<10000x128xf32, #tpu.memory_space<hbm>>
      %dma_start3A_206 = tpu.memref_slice %arg9[%dma_start3A_195] : memref<2x!tpu.dma_semaphore, #tpu.memory_space<semaphore_mem>> -> memref<1x!tpu.dma_semaphore, #tpu.memory_space<semaphore_mem>>
      %dma_start3A_207 = tpu.memref_squeeze %dma_start3A_206 : memref<1x!tpu.dma_semaphore, #tpu.memory_space<semaphore_mem>> -> memref<!tpu.dma_semaphore, #tpu.memory_space<semaphore_mem>>
      tpu.enqueue_indirect_dma source(%dma_start3A_205 : memref<10000x128xf32, #tpu.memory_space<hbm>>) target(%dma_start3A_199 : memref<128x128xf32, #tpu.memory_space<vmem>>) offsets(%dma_start3A_202 : memref<128xi32, #tpu.memory_space<vmem>>) semaphore(%dma_start3A_207 : memref<!tpu.dma_semaphore, #tpu.memory_space<semaphore_mem>>)
      %dma_wait3A_208 = arith.constant 1 : i32
      %dma_wait3A_209 = arith.constant 1 : i32
      %dma_wait3A_210 = arith.constant 1 : i32
      %dma_wait3A_211 = arith.constant 0 : i32
      %dma_wait3A_212 = arith.constant 0 : i32
      %dma_wait3A_213 = tpu.memref_slice %arg7[%dma_wait3A_209, %dma_wait3A_211, %dma_wait3A_212] : memref<2x128x128xf32, #tpu.memory_space<vmem>> -> memref<1x128x128xf32, #tpu.memory_space<vmem>>
      %dma_wait3A_214 = tpu.memref_squeeze %dma_wait3A_213 : memref<1x128x128xf32, #tpu.memory_space<vmem>> -> memref<128x128xf32, #tpu.memory_space<vmem>>
      %dma_wait3A_215 = arith.constant 0 : i32
      %dma_wait3A_216 = tpu.memref_slice %arg5[%dma_wait3A_208, %dma_wait3A_215] : memref<40x128xi32, #tpu.memory_space<vmem>> -> memref<1x128xi32, #tpu.memory_space<vmem>>
      %dma_wait3A_217 = tpu.memref_squeeze %dma_wait3A_216 : memref<1x128xi32, #tpu.memory_space<vmem>> -> memref<128xi32, #tpu.memory_space<vmem>>
      %dma_wait3A_218 = arith.constant 0 : i32
      %dma_wait3A_219 = arith.constant 0 : i32
      %dma_wait3A_220 = tpu.memref_slice %arg2[%dma_wait3A_218, %dma_wait3A_219] : memref<10000x128xf32, #tpu.memory_space<hbm>> -> memref<10000x128xf32, #tpu.memory_space<hbm>>
      %dma_wait3A_221 = tpu.memref_slice %arg9[%dma_wait3A_210] : memref<2x!tpu.dma_semaphore, #tpu.memory_space<semaphore_mem>> -> memref<1x!tpu.dma_semaphore, #tpu.memory_space<semaphore_mem>>
      %dma_wait3A_222 = tpu.memref_squeeze %dma_wait3A_221 : memref<1x!tpu.dma_semaphore, #tpu.memory_space<semaphore_mem>> -> memref<!tpu.dma_semaphore, #tpu.memory_space<semaphore_mem>>
      tpu.wait_indirect_dma semaphore(%dma_wait3A_222 : memref<!tpu.dma_semaphore, #tpu.memory_space<semaphore_mem>>) src(%dma_wait3A_220 : memref<10000x128xf32, #tpu.memory_space<hbm>>) dst(%dma_wait3A_214 : memref<128x128xf32, #tpu.memory_space<vmem>>)
      %mul3A_223 = arith.constant 2 : i32
      %mul3A_224 = arith.muli %add3A_167, %mul3A_223 : i32
      %add3A_225 = arith.constant 1 : i32
      %add3A_226 = arith.addi %mul3A_224, %add3A_225 : i32
      %run_scoped3A_227 = arith.constant 1 : i32
      "tpu.region"() ({
        %run_scoped3A_248 = tpu.sem_alloc : memref<!tpu.dma_semaphore, #tpu.memory_space<semaphore_mem>>
        %dma_start3A_249 = arith.constant 0 : i32
        %dma_start3A_250 = arith.constant 0 : i32
        %dma_start3A_251 = tpu.memref_slice %arg7[%run_scoped3A_227, %dma_start3A_249, %dma_start3A_250] : memref<2x128x128xf32, #tpu.memory_space<vmem>> -> memref<1x128x128xf32, #tpu.memory_space<vmem>>
        %dma_start3A_252 = tpu.memref_squeeze %dma_start3A_251 : memref<1x128x128xf32, #tpu.memory_space<vmem>> -> memref<128x128xf32, #tpu.memory_space<vmem>>
        %dma_start3A_253 = arith.constant 0 : i32
        %dma_start3A_254 = tpu.memref_slice %arg6[%add3A_226, %dma_start3A_253] : memref<40x128xi32, #tpu.memory_space<vmem>> -> memref<1x128xi32, #tpu.memory_space<vmem>>
        %dma_start3A_255 = tpu.memref_squeeze %dma_start3A_254 : memref<1x128xi32, #tpu.memory_space<vmem>> -> memref<128xi32, #tpu.memory_space<vmem>>
        %dma_start3A_256 = arith.constant 0 : i32
        %dma_start3A_257 = arith.constant 0 : i32
        %dma_start3A_258 = tpu.memref_slice %arg8[%dma_start3A_256, %dma_start3A_257] : memref<10112x128xf32, #tpu.memory_space<vmem_shared>> -> memref<10112x128xf32, #tpu.memory_space<vmem_shared>>
        tpu.enqueue_indirect_dma source(%dma_start3A_252 : memref<128x128xf32, #tpu.memory_space<vmem>>) target(%dma_start3A_258 : memref<10112x128xf32, #tpu.memory_space<vmem_shared>>) offsets(%dma_start3A_255 : memref<128xi32, #tpu.memory_space<vmem>>) semaphore(%run_scoped3A_248 : memref<!tpu.dma_semaphore, #tpu.memory_space<semaphore_mem>>) {add = true}
        %dma_wait3A_259 = arith.constant 0 : i32
        %dma_wait3A_260 = arith.constant 0 : i32
        %dma_wait3A_261 = tpu.memref_slice %arg7[%run_scoped3A_227, %dma_wait3A_259, %dma_wait3A_260] : memref<2x128x128xf32, #tpu.memory_space<vmem>> -> memref<1x128x128xf32, #tpu.memory_space<vmem>>
        %dma_wait3A_262 = tpu.memref_squeeze %dma_wait3A_261 : memref<1x128x128xf32, #tpu.memory_space<vmem>> -> memref<128x128xf32, #tpu.memory_space<vmem>>
        %dma_wait3A_263 = arith.constant 0 : i32
        %dma_wait3A_264 = tpu.memref_slice %arg6[%add3A_226, %dma_wait3A_263] : memref<40x128xi32, #tpu.memory_space<vmem>> -> memref<1x128xi32, #tpu.memory_space<vmem>>
        %dma_wait3A_265 = tpu.memref_squeeze %dma_wait3A_264 : memref<1x128xi32, #tpu.memory_space<vmem>> -> memref<128xi32, #tpu.memory_space<vmem>>
        %dma_wait3A_266 = arith.constant 0 : i32
        %dma_wait3A_267 = arith.constant 0 : i32
        %dma_wait3A_268 = tpu.memref_slice %arg8[%dma_wait3A_266, %dma_wait3A_267] : memref<10112x128xf32, #tpu.memory_space<vmem_shared>> -> memref<10112x128xf32, #tpu.memory_space<vmem_shared>>
        tpu.wait_indirect_dma semaphore(%run_scoped3A_248 : memref<!tpu.dma_semaphore, #tpu.memory_space<semaphore_mem>>) src(%dma_wait3A_262 : memref<128x128xf32, #tpu.memory_space<vmem>>) dst(%dma_wait3A_268 : memref<10112x128xf32, #tpu.memory_space<vmem_shared>>)
        tpu.yield
      }) : () -> ()
      %add3A_228 = arith.constant 1 : i32
      %add3A_229 = arith.addi %add3A_167, %add3A_228 : i32
      %mul3A_230 = arith.constant 2 : i32
      %mul3A_231 = arith.muli %add3A_229, %mul3A_230 : i32
      %add3A_232 = arith.constant 1 : i32
      %add3A_233 = arith.addi %mul3A_231, %add3A_232 : i32
      %dma_start3A_234 = arith.constant 1 : i32
      %dma_start3A_235 = arith.constant 1 : i32
      %dma_start3A_236 = arith.constant 0 : i32
      %dma_start3A_237 = arith.constant 0 : i32
      %dma_start3A_238 = tpu.memref_slice %arg7[%dma_start3A_234, %dma_start3A_236, %dma_start3A_237] : memref<2x128x128xf32, #tpu.memory_space<vmem>> -> memref<1x128x128xf32, #tpu.memory_space<vmem>>
      %dma_start3A_239 = tpu.memref_squeeze %dma_start3A_238 : memref<1x128x128xf32, #tpu.memory_space<vmem>> -> memref<128x128xf32, #tpu.memory_space<vmem>>
      %dma_start3A_240 = arith.constant 0 : i32
      %dma_start3A_241 = tpu.memref_slice %arg5[%add3A_233, %dma_start3A_240] : memref<40x128xi32, #tpu.memory_space<vmem>> -> memref<1x128xi32, #tpu.memory_space<vmem>>
      %dma_start3A_242 = tpu.memref_squeeze %dma_start3A_241 : memref<1x128xi32, #tpu.memory_space<vmem>> -> memref<128xi32, #tpu.memory_space<vmem>>
      %dma_start3A_243 = arith.constant 0 : i32
      %dma_start3A_244 = arith.constant 0 : i32
      %dma_start3A_245 = tpu.memref_slice %arg2[%dma_start3A_243, %dma_start3A_244] : memref<10000x128xf32, #tpu.memory_space<hbm>> -> memref<10000x128xf32, #tpu.memory_space<hbm>>
      %dma_start3A_246 = tpu.memref_slice %arg9[%dma_start3A_235] : memref<2x!tpu.dma_semaphore, #tpu.memory_space<semaphore_mem>> -> memref<1x!tpu.dma_semaphore, #tpu.memory_space<semaphore_mem>>
      %dma_start3A_247 = tpu.memref_squeeze %dma_start3A_246 : memref<1x!tpu.dma_semaphore, #tpu.memory_space<semaphore_mem>> -> memref<!tpu.dma_semaphore, #tpu.memory_space<semaphore_mem>>
      tpu.enqueue_indirect_dma source(%dma_start3A_245 : memref<10000x128xf32, #tpu.memory_space<hbm>>) target(%dma_start3A_239 : memref<128x128xf32, #tpu.memory_space<vmem>>) offsets(%dma_start3A_242 : memref<128xi32, #tpu.memory_space<vmem>>) semaphore(%dma_start3A_247 : memref<!tpu.dma_semaphore, #tpu.memory_space<semaphore_mem>>)
    }
    %scan3A_51 = arith.constant 19 : i32
    %dma_wait3A = arith.constant 0 : i32
    %dma_wait3A_52 = arith.constant 0 : i32
    %dma_wait3A_53 = arith.constant 0 : i32
    %dma_wait3A_54 = arith.constant 0 : i32
    %dma_wait3A_55 = arith.constant 0 : i32
    %dma_wait3A_56 = tpu.memref_slice %arg7[%dma_wait3A_52, %dma_wait3A_54, %dma_wait3A_55] : memref<2x128x128xf32, #tpu.memory_space<vmem>> -> memref<1x128x128xf32, #tpu.memory_space<vmem>>
    %dma_wait3A_57 = tpu.memref_squeeze %dma_wait3A_56 : memref<1x128x128xf32, #tpu.memory_space<vmem>> -> memref<128x128xf32, #tpu.memory_space<vmem>>
    %dma_wait3A_58 = arith.constant 0 : i32
    %dma_wait3A_59 = tpu.memref_slice %arg5[%dma_wait3A, %dma_wait3A_58] : memref<40x128xi32, #tpu.memory_space<vmem>> -> memref<1x128xi32, #tpu.memory_space<vmem>>
    %dma_wait3A_60 = tpu.memref_squeeze %dma_wait3A_59 : memref<1x128xi32, #tpu.memory_space<vmem>> -> memref<128xi32, #tpu.memory_space<vmem>>
    %dma_wait3A_61 = arith.constant 0 : i32
    %dma_wait3A_62 = arith.constant 0 : i32
    %dma_wait3A_63 = tpu.memref_slice %arg2[%dma_wait3A_61, %dma_wait3A_62] : memref<10000x128xf32, #tpu.memory_space<hbm>> -> memref<10000x128xf32, #tpu.memory_space<hbm>>
    %dma_wait3A_64 = tpu.memref_slice %arg9[%dma_wait3A_53] : memref<2x!tpu.dma_semaphore, #tpu.memory_space<semaphore_mem>> -> memref<1x!tpu.dma_semaphore, #tpu.memory_space<semaphore_mem>>
    %dma_wait3A_65 = tpu.memref_squeeze %dma_wait3A_64 : memref<1x!tpu.dma_semaphore, #tpu.memory_space<semaphore_mem>> -> memref<!tpu.dma_semaphore, #tpu.memory_space<semaphore_mem>>
    tpu.wait_indirect_dma semaphore(%dma_wait3A_65 : memref<!tpu.dma_semaphore, #tpu.memory_space<semaphore_mem>>) src(%dma_wait3A_63 : memref<10000x128xf32, #tpu.memory_space<hbm>>) dst(%dma_wait3A_57 : memref<128x128xf32, #tpu.memory_space<vmem>>)
    %run_scoped3A_66 = arith.constant 0 : i32
    %run_scoped3A_67 = arith.constant 38 : i32
    "tpu.region"() ({
      %run_scoped3A_163 = tpu.sem_alloc : memref<!tpu.dma_semaphore, #tpu.memory_space<semaphore_mem>>
      %dma_start3A_164 = arith.constant 0 : i32
      %dma_start3A_165 = arith.constant 0 : i32
      %dma_start3A_166 = tpu.memref_slice %arg7[%run_scoped3A_66, %dma_start3A_164, %dma_start3A_165] : memref<2x128x128xf32, #tpu.memory_space<vmem>> -> memref<1x128x128xf32, #tpu.memory_space<vmem>>
      %dma_start3A_167 = tpu.memref_squeeze %dma_start3A_166 : memref<1x128x128xf32, #tpu.memory_space<vmem>> -> memref<128x128xf32, #tpu.memory_space<vmem>>
      %dma_start3A_168 = arith.constant 0 : i32
      %dma_start3A_169 = tpu.memref_slice %arg6[%run_scoped3A_67, %dma_start3A_168] : memref<40x128xi32, #tpu.memory_space<vmem>> -> memref<1x128xi32, #tpu.memory_space<vmem>>
      %dma_start3A_170 = tpu.memref_squeeze %dma_start3A_169 : memref<1x128xi32, #tpu.memory_space<vmem>> -> memref<128xi32, #tpu.memory_space<vmem>>
      %dma_start3A_171 = arith.constant 0 : i32
      %dma_start3A_172 = arith.constant 0 : i32
      %dma_start3A_173 = tpu.memref_slice %arg8[%dma_start3A_171, %dma_start3A_172] : memref<10112x128xf32, #tpu.memory_space<vmem_shared>> -> memref<10112x128xf32, #tpu.memory_space<vmem_shared>>
      tpu.enqueue_indirect_dma source(%dma_start3A_167 : memref<128x128xf32, #tpu.memory_space<vmem>>) target(%dma_start3A_173 : memref<10112x128xf32, #tpu.memory_space<vmem_shared>>) offsets(%dma_start3A_170 : memref<128xi32, #tpu.memory_space<vmem>>) semaphore(%run_scoped3A_163 : memref<!tpu.dma_semaphore, #tpu.memory_space<semaphore_mem>>) {add = true}
      %dma_wait3A_174 = arith.constant 0 : i32
      %dma_wait3A_175 = arith.constant 0 : i32
      %dma_wait3A_176 = tpu.memref_slice %arg7[%run_scoped3A_66, %dma_wait3A_174, %dma_wait3A_175] : memref<2x128x128xf32, #tpu.memory_space<vmem>> -> memref<1x128x128xf32, #tpu.memory_space<vmem>>
      %dma_wait3A_177 = tpu.memref_squeeze %dma_wait3A_176 : memref<1x128x128xf32, #tpu.memory_space<vmem>> -> memref<128x128xf32, #tpu.memory_space<vmem>>
      %dma_wait3A_178 = arith.constant 0 : i32
      %dma_wait3A_179 = tpu.memref_slice %arg6[%run_scoped3A_67, %dma_wait3A_178] : memref<40x128xi32, #tpu.memory_space<vmem>> -> memref<1x128xi32, #tpu.memory_space<vmem>>
      %dma_wait3A_180 = tpu.memref_squeeze %dma_wait3A_179 : memref<1x128xi32, #tpu.memory_space<vmem>> -> memref<128xi32, #tpu.memory_space<vmem>>
      %dma_wait3A_181 = arith.constant 0 : i32
      %dma_wait3A_182 = arith.constant 0 : i32
      %dma_wait3A_183 = tpu.memref_slice %arg8[%dma_wait3A_181, %dma_wait3A_182] : memref<10112x128xf32, #tpu.memory_space<vmem_shared>> -> memref<10112x128xf32, #tpu.memory_space<vmem_shared>>
      tpu.wait_indirect_dma semaphore(%run_scoped3A_163 : memref<!tpu.dma_semaphore, #tpu.memory_space<semaphore_mem>>) src(%dma_wait3A_177 : memref<128x128xf32, #tpu.memory_space<vmem>>) dst(%dma_wait3A_183 : memref<10112x128xf32, #tpu.memory_space<vmem_shared>>)
      tpu.yield
    }) : () -> ()
    %dma_wait3A_68 = arith.constant 1 : i32
    %dma_wait3A_69 = arith.constant 1 : i32
    %dma_wait3A_70 = arith.constant 1 : i32
    %dma_wait3A_71 = arith.constant 0 : i32
    %dma_wait3A_72 = arith.constant 0 : i32
    %dma_wait3A_73 = tpu.memref_slice %arg7[%dma_wait3A_69, %dma_wait3A_71, %dma_wait3A_72] : memref<2x128x128xf32, #tpu.memory_space<vmem>> -> memref<1x128x128xf32, #tpu.memory_space<vmem>>
    %dma_wait3A_74 = tpu.memref_squeeze %dma_wait3A_73 : memref<1x128x128xf32, #tpu.memory_space<vmem>> -> memref<128x128xf32, #tpu.memory_space<vmem>>
    %dma_wait3A_75 = arith.constant 0 : i32
    %dma_wait3A_76 = tpu.memref_slice %arg5[%dma_wait3A_68, %dma_wait3A_75] : memref<40x128xi32, #tpu.memory_space<vmem>> -> memref<1x128xi32, #tpu.memory_space<vmem>>
    %dma_wait3A_77 = tpu.memref_squeeze %dma_wait3A_76 : memref<1x128xi32, #tpu.memory_space<vmem>> -> memref<128xi32, #tpu.memory_space<vmem>>
    %dma_wait3A_78 = arith.constant 0 : i32
    %dma_wait3A_79 = arith.constant 0 : i32
    %dma_wait3A_80 = tpu.memref_slice %arg2[%dma_wait3A_78, %dma_wait3A_79] : memref<10000x128xf32, #tpu.memory_space<hbm>> -> memref<10000x128xf32, #tpu.memory_space<hbm>>
    %dma_wait3A_81 = tpu.memref_slice %arg9[%dma_wait3A_70] : memref<2x!tpu.dma_semaphore, #tpu.memory_space<semaphore_mem>> -> memref<1x!tpu.dma_semaphore, #tpu.memory_space<semaphore_mem>>
    %dma_wait3A_82 = tpu.memref_squeeze %dma_wait3A_81 : memref<1x!tpu.dma_semaphore, #tpu.memory_space<semaphore_mem>> -> memref<!tpu.dma_semaphore, #tpu.memory_space<semaphore_mem>>
    tpu.wait_indirect_dma semaphore(%dma_wait3A_82 : memref<!tpu.dma_semaphore, #tpu.memory_space<semaphore_mem>>) src(%dma_wait3A_80 : memref<10000x128xf32, #tpu.memory_space<hbm>>) dst(%dma_wait3A_74 : memref<128x128xf32, #tpu.memory_space<vmem>>)
    %run_scoped3A_83 = arith.constant 1 : i32
    %run_scoped3A_84 = arith.constant 39 : i32
    "tpu.region"() ({
      %run_scoped3A_163 = tpu.sem_alloc : memref<!tpu.dma_semaphore, #tpu.memory_space<semaphore_mem>>
      %dma_start3A_164 = arith.constant 0 : i32
      %dma_start3A_165 = arith.constant 0 : i32
      %dma_start3A_166 = tpu.memref_slice %arg7[%run_scoped3A_83, %dma_start3A_164, %dma_start3A_165] : memref<2x128x128xf32, #tpu.memory_space<vmem>> -> memref<1x128x128xf32, #tpu.memory_space<vmem>>
      %dma_start3A_167 = tpu.memref_squeeze %dma_start3A_166 : memref<1x128x128xf32, #tpu.memory_space<vmem>> -> memref<128x128xf32, #tpu.memory_space<vmem>>
      %dma_start3A_168 = arith.constant 0 : i32
      %dma_start3A_169 = tpu.memref_slice %arg6[%run_scoped3A_84, %dma_start3A_168] : memref<40x128xi32, #tpu.memory_space<vmem>> -> memref<1x128xi32, #tpu.memory_space<vmem>>
      %dma_start3A_170 = tpu.memref_squeeze %dma_start3A_169 : memref<1x128xi32, #tpu.memory_space<vmem>> -> memref<128xi32, #tpu.memory_space<vmem>>
      %dma_start3A_171 = arith.constant 0 : i32
      %dma_start3A_172 = arith.constant 0 : i32
      %dma_start3A_173 = tpu.memref_slice %arg8[%dma_start3A_171, %dma_start3A_172] : memref<10112x128xf32, #tpu.memory_space<vmem_shared>> -> memref<10112x128xf32, #tpu.memory_space<vmem_shared>>
      tpu.enqueue_indirect_dma source(%dma_start3A_167 : memref<128x128xf32, #tpu.memory_space<vmem>>) target(%dma_start3A_173 : memref<10112x128xf32, #tpu.memory_space<vmem_shared>>) offsets(%dma_start3A_170 : memref<128xi32, #tpu.memory_space<vmem>>) semaphore(%run_scoped3A_163 : memref<!tpu.dma_semaphore, #tpu.memory_space<semaphore_mem>>) {add = true}
      %dma_wait3A_174 = arith.constant 0 : i32
      %dma_wait3A_175 = arith.constant 0 : i32
      %dma_wait3A_176 = tpu.memref_slice %arg7[%run_scoped3A_83, %dma_wait3A_174, %dma_wait3A_175] : memref<2x128x128xf32, #tpu.memory_space<vmem>> -> memref<1x128x128xf32, #tpu.memory_space<vmem>>
      %dma_wait3A_177 = tpu.memref_squeeze %dma_wait3A_176 : memref<1x128x128xf32, #tpu.memory_space<vmem>> -> memref<128x128xf32, #tpu.memory_space<vmem>>
      %dma_wait3A_178 = arith.constant 0 : i32
      %dma_wait3A_179 = tpu.memref_slice %arg6[%run_scoped3A_84, %dma_wait3A_178] : memref<40x128xi32, #tpu.memory_space<vmem>> -> memref<1x128xi32, #tpu.memory_space<vmem>>
      %dma_wait3A_180 = tpu.memref_squeeze %dma_wait3A_179 : memref<1x128xi32, #tpu.memory_space<vmem>> -> memref<128xi32, #tpu.memory_space<vmem>>
      %dma_wait3A_181 = arith.constant 0 : i32
      %dma_wait3A_182 = arith.constant 0 : i32
      %dma_wait3A_183 = tpu.memref_slice %arg8[%dma_wait3A_181, %dma_wait3A_182] : memref<10112x128xf32, #tpu.memory_space<vmem_shared>> -> memref<10112x128xf32, #tpu.memory_space<vmem_shared>>
      tpu.wait_indirect_dma semaphore(%run_scoped3A_163 : memref<!tpu.dma_semaphore, #tpu.memory_space<semaphore_mem>>) src(%dma_wait3A_177 : memref<128x128xf32, #tpu.memory_space<vmem>>) dst(%dma_wait3A_183 : memref<10112x128xf32, #tpu.memory_space<vmem_shared>>)
      tpu.yield
    }) : () -> ()
    %add3A_85 = arith.constant 40 : i32
    %add3A_86 = arith.addi %mul3A_2, %add3A_85 : i32
    %run_scoped3A_87 = arith.constant 0 : i32
    "tpu.region"() ({
      %run_scoped3A_163 = tpu.sem_alloc : memref<!tpu.dma_semaphore, #tpu.memory_space<semaphore_mem>>
      %dma_start3A_164 = arith.constant 0 : i32
      %dma_start3A_165 = tpu.memref_slice %arg3[%run_scoped3A_87, %add3A_86, %dma_start3A_164] : memref<2x2560x128xi32, #tpu.memory_space<hbm>> -> memref<1x40x128xi32, #tpu.memory_space<hbm>>
      %dma_start3A_166 = tpu.memref_squeeze %dma_start3A_165 : memref<1x40x128xi32, #tpu.memory_space<hbm>> -> memref<40x128xi32, #tpu.memory_space<hbm>>
      %dma_start3A_167 = arith.constant 0 : i32
      %dma_start3A_168 = tpu.memref_slice %arg3[%run_scoped3A_87, %add3A_86, %dma_start3A_167] : memref<2x2560x128xi32, #tpu.memory_space<hbm>> -> memref<1x40x128xi32, #tpu.memory_space<hbm>>
      %dma_start3A_169 = tpu.memref_squeeze %dma_start3A_168 : memref<1x40x128xi32, #tpu.memory_space<hbm>> -> memref<40x128xi32, #tpu.memory_space<hbm>>
      tpu.enqueue_dma source(%dma_start3A_169 : memref<40x128xi32, #tpu.memory_space<hbm>>) target(%arg5 : memref<40x128xi32, #tpu.memory_space<vmem>>) target_semaphore(%run_scoped3A_163 : memref<!tpu.dma_semaphore, #tpu.memory_space<semaphore_mem>>)
      %dma_wait3A_170 = arith.constant 0 : i32
      %dma_wait3A_171 = tpu.memref_slice %arg3[%run_scoped3A_87, %add3A_86, %dma_wait3A_170] : memref<2x2560x128xi32, #tpu.memory_space<hbm>> -> memref<1x40x128xi32, #tpu.memory_space<hbm>>
      %dma_wait3A_172 = tpu.memref_squeeze %dma_wait3A_171 : memref<1x40x128xi32, #tpu.memory_space<hbm>> -> memref<40x128xi32, #tpu.memory_space<hbm>>
      %dma_wait3A_173 = arith.constant 0 : i32
      %dma_wait3A_174 = tpu.memref_slice %arg3[%run_scoped3A_87, %add3A_86, %dma_wait3A_173] : memref<2x2560x128xi32, #tpu.memory_space<hbm>> -> memref<1x40x128xi32, #tpu.memory_space<hbm>>
      %dma_wait3A_175 = tpu.memref_squeeze %dma_wait3A_174 : memref<1x40x128xi32, #tpu.memory_space<hbm>> -> memref<40x128xi32, #tpu.memory_space<hbm>>
      tpu.wait_dma2 semaphore(%run_scoped3A_163 : memref<!tpu.dma_semaphore, #tpu.memory_space<semaphore_mem>>) src(%dma_wait3A_175 : memref<40x128xi32, #tpu.memory_space<hbm>>) dst(%arg5 : memref<40x128xi32, #tpu.memory_space<vmem>>)
      tpu.yield
    }) : () -> ()
    %add3A_88 = arith.constant 40 : i32
    %add3A_89 = arith.addi %mul3A_2, %add3A_88 : i32
    %run_scoped3A_90 = arith.constant 1 : i32
    "tpu.region"() ({
      %run_scoped3A_163 = tpu.sem_alloc : memref<!tpu.dma_semaphore, #tpu.memory_space<semaphore_mem>>
      %dma_start3A_164 = arith.constant 0 : i32
      %dma_start3A_165 = tpu.memref_slice %arg3[%run_scoped3A_90, %add3A_89, %dma_start3A_164] : memref<2x2560x128xi32, #tpu.memory_space<hbm>> -> memref<1x40x128xi32, #tpu.memory_space<hbm>>
      %dma_start3A_166 = tpu.memref_squeeze %dma_start3A_165 : memref<1x40x128xi32, #tpu.memory_space<hbm>> -> memref<40x128xi32, #tpu.memory_space<hbm>>
      %dma_start3A_167 = arith.constant 0 : i32
      %dma_start3A_168 = tpu.memref_slice %arg3[%run_scoped3A_90, %add3A_89, %dma_start3A_167] : memref<2x2560x128xi32, #tpu.memory_space<hbm>> -> memref<1x40x128xi32, #tpu.memory_space<hbm>>
      %dma_start3A_169 = tpu.memref_squeeze %dma_start3A_168 : memref<1x40x128xi32, #tpu.memory_space<hbm>> -> memref<40x128xi32, #tpu.memory_space<hbm>>
      tpu.enqueue_dma source(%dma_start3A_169 : memref<40x128xi32, #tpu.memory_space<hbm>>) target(%arg6 : memref<40x128xi32, #tpu.memory_space<vmem>>) target_semaphore(%run_scoped3A_163 : memref<!tpu.dma_semaphore, #tpu.memory_space<semaphore_mem>>)
      %dma_wait3A_170 = arith.constant 0 : i32
      %dma_wait3A_171 = tpu.memref_slice %arg3[%run_scoped3A_90, %add3A_89, %dma_wait3A_170] : memref<2x2560x128xi32, #tpu.memory_space<hbm>> -> memref<1x40x128xi32, #tpu.memory_space<hbm>>
      %dma_wait3A_172 = tpu.memref_squeeze %dma_wait3A_171 : memref<1x40x128xi32, #tpu.memory_space<hbm>> -> memref<40x128xi32, #tpu.memory_space<hbm>>
      %dma_wait3A_173 = arith.constant 0 : i32
      %dma_wait3A_174 = tpu.memref_slice %arg3[%run_scoped3A_90, %add3A_89, %dma_wait3A_173] : memref<2x2560x128xi32, #tpu.memory_space<hbm>> -> memref<1x40x128xi32, #tpu.memory_space<hbm>>
      %dma_wait3A_175 = tpu.memref_squeeze %dma_wait3A_174 : memref<1x40x128xi32, #tpu.memory_space<hbm>> -> memref<40x128xi32, #tpu.memory_space<hbm>>
      tpu.wait_dma2 semaphore(%run_scoped3A_163 : memref<!tpu.dma_semaphore, #tpu.memory_space<semaphore_mem>>) src(%dma_wait3A_175 : memref<40x128xi32, #tpu.memory_space<hbm>>) dst(%arg6 : memref<40x128xi32, #tpu.memory_space<vmem>>)
      tpu.yield
    }) : () -> ()
    %dma_start3A_91 = arith.constant 0 : i32
    %dma_start3A_92 = arith.constant 0 : i32
    %dma_start3A_93 = arith.constant 0 : i32
    %dma_start3A_94 = arith.constant 0 : i32
    %dma_start3A_95 = arith.constant 0 : i32
    %dma_start3A_96 = tpu.memref_slice %arg7[%dma_start3A_92, %dma_start3A_94, %dma_start3A_95] : memref<2x128x128xf32, #tpu.memory_space<vmem>> -> memref<1x128x128xf32, #tpu.memory_space<vmem>>
    %dma_start3A_97 = tpu.memref_squeeze %dma_start3A_96 : memref<1x128x128xf32, #tpu.memory_space<vmem>> -> memref<128x128xf32, #tpu.memory_space<vmem>>
    %dma_start3A_98 = arith.constant 0 : i32
    %dma_start3A_99 = tpu.memref_slice %arg5[%dma_start3A_91, %dma_start3A_98] : memref<40x128xi32, #tpu.memory_space<vmem>> -> memref<1x128xi32, #tpu.memory_space<vmem>>
    %dma_start3A_100 = tpu.memref_squeeze %dma_start3A_99 : memref<1x128xi32, #tpu.memory_space<vmem>> -> memref<128xi32, #tpu.memory_space<vmem>>
    %dma_start3A_101 = arith.constant 0 : i32
    %dma_start3A_102 = arith.constant 0 : i32
    %dma_start3A_103 = tpu.memref_slice %arg2[%dma_start3A_101, %dma_start3A_102] : memref<10000x128xf32, #tpu.memory_space<hbm>> -> memref<10000x128xf32, #tpu.memory_space<hbm>>
    %dma_start3A_104 = tpu.memref_slice %arg9[%dma_start3A_93] : memref<2x!tpu.dma_semaphore, #tpu.memory_space<semaphore_mem>> -> memref<1x!tpu.dma_semaphore, #tpu.memory_space<semaphore_mem>>
    %dma_start3A_105 = tpu.memref_squeeze %dma_start3A_104 : memref<1x!tpu.dma_semaphore, #tpu.memory_space<semaphore_mem>> -> memref<!tpu.dma_semaphore, #tpu.memory_space<semaphore_mem>>
    tpu.enqueue_indirect_dma source(%dma_start3A_103 : memref<10000x128xf32, #tpu.memory_space<hbm>>) target(%dma_start3A_97 : memref<128x128xf32, #tpu.memory_space<vmem>>) offsets(%dma_start3A_100 : memref<128xi32, #tpu.memory_space<vmem>>) semaphore(%dma_start3A_105 : memref<!tpu.dma_semaphore, #tpu.memory_space<semaphore_mem>>)
    %dma_start3A_106 = arith.constant 1 : i32
    %dma_start3A_107 = arith.constant 1 : i32
    %dma_start3A_108 = arith.constant 1 : i32
    %dma_start3A_109 = arith.constant 0 : i32
    %dma_start3A_110 = arith.constant 0 : i32
    %dma_start3A_111 = tpu.memref_slice %arg7[%dma_start3A_107, %dma_start3A_109, %dma_start3A_110] : memref<2x128x128xf32, #tpu.memory_space<vmem>> -> memref<1x128x128xf32, #tpu.memory_space<vmem>>
    %dma_start3A_112 = tpu.memref_squeeze %dma_start3A_111 : memref<1x128x128xf32, #tpu.memory_space<vmem>> -> memref<128x128xf32, #tpu.memory_space<vmem>>
    %dma_start3A_113 = arith.constant 0 : i32
    %dma_start3A_114 = tpu.memref_slice %arg5[%dma_start3A_106, %dma_start3A_113] : memref<40x128xi32, #tpu.memory_space<vmem>> -> memref<1x128xi32, #tpu.memory_space<vmem>>
    %dma_start3A_115 = tpu.memref_squeeze %dma_start3A_114 : memref<1x128xi32, #tpu.memory_space<vmem>> -> memref<128xi32, #tpu.memory_space<vmem>>
    %dma_start3A_116 = arith.constant 0 : i32
    %dma_start3A_117 = arith.constant 0 : i32
    %dma_start3A_118 = tpu.memref_slice %arg2[%dma_start3A_116, %dma_start3A_117] : memref<10000x128xf32, #tpu.memory_space<hbm>> -> memref<10000x128xf32, #tpu.memory_space<hbm>>
    %dma_start3A_119 = tpu.memref_slice %arg9[%dma_start3A_108] : memref<2x!tpu.dma_semaphore, #tpu.memory_space<semaphore_mem>> -> memref<1x!tpu.dma_semaphore, #tpu.memory_space<semaphore_mem>>
    %dma_start3A_120 = tpu.memref_squeeze %dma_start3A_119 : memref<1x!tpu.dma_semaphore, #tpu.memory_space<semaphore_mem>> -> memref<!tpu.dma_semaphore, #tpu.memory_space<semaphore_mem>>
    tpu.enqueue_indirect_dma source(%dma_start3A_118 : memref<10000x128xf32, #tpu.memory_space<hbm>>) target(%dma_start3A_112 : memref<128x128xf32, #tpu.memory_space<vmem>>) offsets(%dma_start3A_115 : memref<128xi32, #tpu.memory_space<vmem>>) semaphore(%dma_start3A_120 : memref<!tpu.dma_semaphore, #tpu.memory_space<semaphore_mem>>)
    %scan3A_121 = arith.constant 0 : i32
    %scan3A_122 = arith.constant 19 : i32
    %scan3A_123 = arith.addi %scan3A_121, %scan3A_122 : i32
    %scan3A_124 = arith.constant 1 : i32
    scf.for %scan3A_163 = %scan3A_121 to %scan3A_123 step %scan3A_124  : i32 {
      %mul3A_164 = arith.constant 1 : i32
      %mul3A_165 = arith.muli %scan3A_163, %mul3A_164 : i32
      %add3A_166 = arith.constant 0 : i32
      %add3A_167 = arith.addi %add3A_166, %mul3A_165 : i32
      %dma_wait3A_168 = arith.constant 0 : i32
      %dma_wait3A_169 = arith.constant 0 : i32
      %dma_wait3A_170 = arith.constant 0 : i32
      %dma_wait3A_171 = arith.constant 0 : i32
      %dma_wait3A_172 = arith.constant 0 : i32
      %dma_wait3A_173 = tpu.memref_slice %arg7[%dma_wait3A_169, %dma_wait3A_171, %dma_wait3A_172] : memref<2x128x128xf32, #tpu.memory_space<vmem>> -> memref<1x128x128xf32, #tpu.memory_space<vmem>>
      %dma_wait3A_174 = tpu.memref_squeeze %dma_wait3A_173 : memref<1x128x128xf32, #tpu.memory_space<vmem>> -> memref<128x128xf32, #tpu.memory_space<vmem>>
      %dma_wait3A_175 = arith.constant 0 : i32
      %dma_wait3A_176 = tpu.memref_slice %arg5[%dma_wait3A_168, %dma_wait3A_175] : memref<40x128xi32, #tpu.memory_space<vmem>> -> memref<1x128xi32, #tpu.memory_space<vmem>>
      %dma_wait3A_177 = tpu.memref_squeeze %dma_wait3A_176 : memref<1x128xi32, #tpu.memory_space<vmem>> -> memref<128xi32, #tpu.memory_space<vmem>>
      %dma_wait3A_178 = arith.constant 0 : i32
      %dma_wait3A_179 = arith.constant 0 : i32
      %dma_wait3A_180 = tpu.memref_slice %arg2[%dma_wait3A_178, %dma_wait3A_179] : memref<10000x128xf32, #tpu.memory_space<hbm>> -> memref<10000x128xf32, #tpu.memory_space<hbm>>
      %dma_wait3A_181 = tpu.memref_slice %arg9[%dma_wait3A_170] : memref<2x!tpu.dma_semaphore, #tpu.memory_space<semaphore_mem>> -> memref<1x!tpu.dma_semaphore, #tpu.memory_space<semaphore_mem>>
      %dma_wait3A_182 = tpu.memref_squeeze %dma_wait3A_181 : memref<1x!tpu.dma_semaphore, #tpu.memory_space<semaphore_mem>> -> memref<!tpu.dma_semaphore, #tpu.memory_space<semaphore_mem>>
      tpu.wait_indirect_dma semaphore(%dma_wait3A_182 : memref<!tpu.dma_semaphore, #tpu.memory_space<semaphore_mem>>) src(%dma_wait3A_180 : memref<10000x128xf32, #tpu.memory_space<hbm>>) dst(%dma_wait3A_174 : memref<128x128xf32, #tpu.memory_space<vmem>>)
      %mul3A_183 = arith.constant 2 : i32
      %mul3A_184 = arith.muli %add3A_167, %mul3A_183 : i32
      %add3A_185 = arith.constant 0 : i32
      %add3A_186 = arith.addi %mul3A_184, %add3A_185 : i32
      %run_scoped3A_187 = arith.constant 0 : i32
      "tpu.region"() ({
        %run_scoped3A_248 = tpu.sem_alloc : memref<!tpu.dma_semaphore, #tpu.memory_space<semaphore_mem>>
        %dma_start3A_249 = arith.constant 0 : i32
        %dma_start3A_250 = arith.constant 0 : i32
        %dma_start3A_251 = tpu.memref_slice %arg7[%run_scoped3A_187, %dma_start3A_249, %dma_start3A_250] : memref<2x128x128xf32, #tpu.memory_space<vmem>> -> memref<1x128x128xf32, #tpu.memory_space<vmem>>
        %dma_start3A_252 = tpu.memref_squeeze %dma_start3A_251 : memref<1x128x128xf32, #tpu.memory_space<vmem>> -> memref<128x128xf32, #tpu.memory_space<vmem>>
        %dma_start3A_253 = arith.constant 0 : i32
        %dma_start3A_254 = tpu.memref_slice %arg6[%add3A_186, %dma_start3A_253] : memref<40x128xi32, #tpu.memory_space<vmem>> -> memref<1x128xi32, #tpu.memory_space<vmem>>
        %dma_start3A_255 = tpu.memref_squeeze %dma_start3A_254 : memref<1x128xi32, #tpu.memory_space<vmem>> -> memref<128xi32, #tpu.memory_space<vmem>>
        %dma_start3A_256 = arith.constant 0 : i32
        %dma_start3A_257 = arith.constant 0 : i32
        %dma_start3A_258 = tpu.memref_slice %arg8[%dma_start3A_256, %dma_start3A_257] : memref<10112x128xf32, #tpu.memory_space<vmem_shared>> -> memref<10112x128xf32, #tpu.memory_space<vmem_shared>>
        tpu.enqueue_indirect_dma source(%dma_start3A_252 : memref<128x128xf32, #tpu.memory_space<vmem>>) target(%dma_start3A_258 : memref<10112x128xf32, #tpu.memory_space<vmem_shared>>) offsets(%dma_start3A_255 : memref<128xi32, #tpu.memory_space<vmem>>) semaphore(%run_scoped3A_248 : memref<!tpu.dma_semaphore, #tpu.memory_space<semaphore_mem>>) {add = true}
        %dma_wait3A_259 = arith.constant 0 : i32
        %dma_wait3A_260 = arith.constant 0 : i32
        %dma_wait3A_261 = tpu.memref_slice %arg7[%run_scoped3A_187, %dma_wait3A_259, %dma_wait3A_260] : memref<2x128x128xf32, #tpu.memory_space<vmem>> -> memref<1x128x128xf32, #tpu.memory_space<vmem>>
        %dma_wait3A_262 = tpu.memref_squeeze %dma_wait3A_261 : memref<1x128x128xf32, #tpu.memory_space<vmem>> -> memref<128x128xf32, #tpu.memory_space<vmem>>
        %dma_wait3A_263 = arith.constant 0 : i32
        %dma_wait3A_264 = tpu.memref_slice %arg6[%add3A_186, %dma_wait3A_263] : memref<40x128xi32, #tpu.memory_space<vmem>> -> memref<1x128xi32, #tpu.memory_space<vmem>>
        %dma_wait3A_265 = tpu.memref_squeeze %dma_wait3A_264 : memref<1x128xi32, #tpu.memory_space<vmem>> -> memref<128xi32, #tpu.memory_space<vmem>>
        %dma_wait3A_266 = arith.constant 0 : i32
        %dma_wait3A_267 = arith.constant 0 : i32
        %dma_wait3A_268 = tpu.memref_slice %arg8[%dma_wait3A_266, %dma_wait3A_267] : memref<10112x128xf32, #tpu.memory_space<vmem_shared>> -> memref<10112x128xf32, #tpu.memory_space<vmem_shared>>
        tpu.wait_indirect_dma semaphore(%run_scoped3A_248 : memref<!tpu.dma_semaphore, #tpu.memory_space<semaphore_mem>>) src(%dma_wait3A_262 : memref<128x128xf32, #tpu.memory_space<vmem>>) dst(%dma_wait3A_268 : memref<10112x128xf32, #tpu.memory_space<vmem_shared>>)
        tpu.yield
      }) : () -> ()
      %add3A_188 = arith.constant 1 : i32
      %add3A_189 = arith.addi %add3A_167, %add3A_188 : i32
      %mul3A_190 = arith.constant 2 : i32
      %mul3A_191 = arith.muli %add3A_189, %mul3A_190 : i32
      %add3A_192 = arith.constant 0 : i32
      %add3A_193 = arith.addi %mul3A_191, %add3A_192 : i32
      %dma_start3A_194 = arith.constant 0 : i32
      %dma_start3A_195 = arith.constant 0 : i32
      %dma_start3A_196 = arith.constant 0 : i32
      %dma_start3A_197 = arith.constant 0 : i32
      %dma_start3A_198 = tpu.memref_slice %arg7[%dma_start3A_194, %dma_start3A_196, %dma_start3A_197] : memref<2x128x128xf32, #tpu.memory_space<vmem>> -> memref<1x128x128xf32, #tpu.memory_space<vmem>>
      %dma_start3A_199 = tpu.memref_squeeze %dma_start3A_198 : memref<1x128x128xf32, #tpu.memory_space<vmem>> -> memref<128x128xf32, #tpu.memory_space<vmem>>
      %dma_start3A_200 = arith.constant 0 : i32
      %dma_start3A_201 = tpu.memref_slice %arg5[%add3A_193, %dma_start3A_200] : memref<40x128xi32, #tpu.memory_space<vmem>> -> memref<1x128xi32, #tpu.memory_space<vmem>>
      %dma_start3A_202 = tpu.memref_squeeze %dma_start3A_201 : memref<1x128xi32, #tpu.memory_space<vmem>> -> memref<128xi32, #tpu.memory_space<vmem>>
      %dma_start3A_203 = arith.constant 0 : i32
      %dma_start3A_204 = arith.constant 0 : i32
      %dma_start3A_205 = tpu.memref_slice %arg2[%dma_start3A_203, %dma_start3A_204] : memref<10000x128xf32, #tpu.memory_space<hbm>> -> memref<10000x128xf32, #tpu.memory_space<hbm>>
      %dma_start3A_206 = tpu.memref_slice %arg9[%dma_start3A_195] : memref<2x!tpu.dma_semaphore, #tpu.memory_space<semaphore_mem>> -> memref<1x!tpu.dma_semaphore, #tpu.memory_space<semaphore_mem>>
      %dma_start3A_207 = tpu.memref_squeeze %dma_start3A_206 : memref<1x!tpu.dma_semaphore, #tpu.memory_space<semaphore_mem>> -> memref<!tpu.dma_semaphore, #tpu.memory_space<semaphore_mem>>
      tpu.enqueue_indirect_dma source(%dma_start3A_205 : memref<10000x128xf32, #tpu.memory_space<hbm>>) target(%dma_start3A_199 : memref<128x128xf32, #tpu.memory_space<vmem>>) offsets(%dma_start3A_202 : memref<128xi32, #tpu.memory_space<vmem>>) semaphore(%dma_start3A_207 : memref<!tpu.dma_semaphore, #tpu.memory_space<semaphore_mem>>)
      %dma_wait3A_208 = arith.constant 1 : i32
      %dma_wait3A_209 = arith.constant 1 : i32
      %dma_wait3A_210 = arith.constant 1 : i32
      %dma_wait3A_211 = arith.constant 0 : i32
      %dma_wait3A_212 = arith.constant 0 : i32
      %dma_wait3A_213 = tpu.memref_slice %arg7[%dma_wait3A_209, %dma_wait3A_211, %dma_wait3A_212] : memref<2x128x128xf32, #tpu.memory_space<vmem>> -> memref<1x128x128xf32, #tpu.memory_space<vmem>>
      %dma_wait3A_214 = tpu.memref_squeeze %dma_wait3A_213 : memref<1x128x128xf32, #tpu.memory_space<vmem>> -> memref<128x128xf32, #tpu.memory_space<vmem>>
      %dma_wait3A_215 = arith.constant 0 : i32
      %dma_wait3A_216 = tpu.memref_slice %arg5[%dma_wait3A_208, %dma_wait3A_215] : memref<40x128xi32, #tpu.memory_space<vmem>> -> memref<1x128xi32, #tpu.memory_space<vmem>>
      %dma_wait3A_217 = tpu.memref_squeeze %dma_wait3A_216 : memref<1x128xi32, #tpu.memory_space<vmem>> -> memref<128xi32, #tpu.memory_space<vmem>>
      %dma_wait3A_218 = arith.constant 0 : i32
      %dma_wait3A_219 = arith.constant 0 : i32
      %dma_wait3A_220 = tpu.memref_slice %arg2[%dma_wait3A_218, %dma_wait3A_219] : memref<10000x128xf32, #tpu.memory_space<hbm>> -> memref<10000x128xf32, #tpu.memory_space<hbm>>
      %dma_wait3A_221 = tpu.memref_slice %arg9[%dma_wait3A_210] : memref<2x!tpu.dma_semaphore, #tpu.memory_space<semaphore_mem>> -> memref<1x!tpu.dma_semaphore, #tpu.memory_space<semaphore_mem>>
      %dma_wait3A_222 = tpu.memref_squeeze %dma_wait3A_221 : memref<1x!tpu.dma_semaphore, #tpu.memory_space<semaphore_mem>> -> memref<!tpu.dma_semaphore, #tpu.memory_space<semaphore_mem>>
      tpu.wait_indirect_dma semaphore(%dma_wait3A_222 : memref<!tpu.dma_semaphore, #tpu.memory_space<semaphore_mem>>) src(%dma_wait3A_220 : memref<10000x128xf32, #tpu.memory_space<hbm>>) dst(%dma_wait3A_214 : memref<128x128xf32, #tpu.memory_space<vmem>>)
      %mul3A_223 = arith.constant 2 : i32
      %mul3A_224 = arith.muli %add3A_167, %mul3A_223 : i32
      %add3A_225 = arith.constant 1 : i32
      %add3A_226 = arith.addi %mul3A_224, %add3A_225 : i32
      %run_scoped3A_227 = arith.constant 1 : i32
      "tpu.region"() ({
        %run_scoped3A_248 = tpu.sem_alloc : memref<!tpu.dma_semaphore, #tpu.memory_space<semaphore_mem>>
        %dma_start3A_249 = arith.constant 0 : i32
        %dma_start3A_250 = arith.constant 0 : i32
        %dma_start3A_251 = tpu.memref_slice %arg7[%run_scoped3A_227, %dma_start3A_249, %dma_start3A_250] : memref<2x128x128xf32, #tpu.memory_space<vmem>> -> memref<1x128x128xf32, #tpu.memory_space<vmem>>
        %dma_start3A_252 = tpu.memref_squeeze %dma_start3A_251 : memref<1x128x128xf32, #tpu.memory_space<vmem>> -> memref<128x128xf32, #tpu.memory_space<vmem>>
        %dma_start3A_253 = arith.constant 0 : i32
        %dma_start3A_254 = tpu.memref_slice %arg6[%add3A_226, %dma_start3A_253] : memref<40x128xi32, #tpu.memory_space<vmem>> -> memref<1x128xi32, #tpu.memory_space<vmem>>
        %dma_start3A_255 = tpu.memref_squeeze %dma_start3A_254 : memref<1x128xi32, #tpu.memory_space<vmem>> -> memref<128xi32, #tpu.memory_space<vmem>>
        %dma_start3A_256 = arith.constant 0 : i32
        %dma_start3A_257 = arith.constant 0 : i32
        %dma_start3A_258 = tpu.memref_slice %arg8[%dma_start3A_256, %dma_start3A_257] : memref<10112x128xf32, #tpu.memory_space<vmem_shared>> -> memref<10112x128xf32, #tpu.memory_space<vmem_shared>>
        tpu.enqueue_indirect_dma source(%dma_start3A_252 : memref<128x128xf32, #tpu.memory_space<vmem>>) target(%dma_start3A_258 : memref<10112x128xf32, #tpu.memory_space<vmem_shared>>) offsets(%dma_start3A_255 : memref<128xi32, #tpu.memory_space<vmem>>) semaphore(%run_scoped3A_248 : memref<!tpu.dma_semaphore, #tpu.memory_space<semaphore_mem>>) {add = true}
        %dma_wait3A_259 = arith.constant 0 : i32
        %dma_wait3A_260 = arith.constant 0 : i32
        %dma_wait3A_261 = tpu.memref_slice %arg7[%run_scoped3A_227, %dma_wait3A_259, %dma_wait3A_260] : memref<2x128x128xf32, #tpu.memory_space<vmem>> -> memref<1x128x128xf32, #tpu.memory_space<vmem>>
        %dma_wait3A_262 = tpu.memref_squeeze %dma_wait3A_261 : memref<1x128x128xf32, #tpu.memory_space<vmem>> -> memref<128x128xf32, #tpu.memory_space<vmem>>
        %dma_wait3A_263 = arith.constant 0 : i32
        %dma_wait3A_264 = tpu.memref_slice %arg6[%add3A_226, %dma_wait3A_263] : memref<40x128xi32, #tpu.memory_space<vmem>> -> memref<1x128xi32, #tpu.memory_space<vmem>>
        %dma_wait3A_265 = tpu.memref_squeeze %dma_wait3A_264 : memref<1x128xi32, #tpu.memory_space<vmem>> -> memref<128xi32, #tpu.memory_space<vmem>>
        %dma_wait3A_266 = arith.constant 0 : i32
        %dma_wait3A_267 = arith.constant 0 : i32
        %dma_wait3A_268 = tpu.memref_slice %arg8[%dma_wait3A_266, %dma_wait3A_267] : memref<10112x128xf32, #tpu.memory_space<vmem_shared>> -> memref<10112x128xf32, #tpu.memory_space<vmem_shared>>
        tpu.wait_indirect_dma semaphore(%run_scoped3A_248 : memref<!tpu.dma_semaphore, #tpu.memory_space<semaphore_mem>>) src(%dma_wait3A_262 : memref<128x128xf32, #tpu.memory_space<vmem>>) dst(%dma_wait3A_268 : memref<10112x128xf32, #tpu.memory_space<vmem_shared>>)
        tpu.yield
      }) : () -> ()
      %add3A_228 = arith.constant 1 : i32
      %add3A_229 = arith.addi %add3A_167, %add3A_228 : i32
      %mul3A_230 = arith.constant 2 : i32
      %mul3A_231 = arith.muli %add3A_229, %mul3A_230 : i32
      %add3A_232 = arith.constant 1 : i32
      %add3A_233 = arith.addi %mul3A_231, %add3A_232 : i32
      %dma_start3A_234 = arith.constant 1 : i32
      %dma_start3A_235 = arith.constant 1 : i32
      %dma_start3A_236 = arith.constant 0 : i32
      %dma_start3A_237 = arith.constant 0 : i32
      %dma_start3A_238 = tpu.memref_slice %arg7[%dma_start3A_234, %dma_start3A_236, %dma_start3A_237] : memref<2x128x128xf32, #tpu.memory_space<vmem>> -> memref<1x128x128xf32, #tpu.memory_space<vmem>>
      %dma_start3A_239 = tpu.memref_squeeze %dma_start3A_238 : memref<1x128x128xf32, #tpu.memory_space<vmem>> -> memref<128x128xf32, #tpu.memory_space<vmem>>
      %dma_start3A_240 = arith.constant 0 : i32
      %dma_start3A_241 = tpu.memref_slice %arg5[%add3A_233, %dma_start3A_240] : memref<40x128xi32, #tpu.memory_space<vmem>> -> memref<1x128xi32, #tpu.memory_space<vmem>>
      %dma_start3A_242 = tpu.memref_squeeze %dma_start3A_241 : memref<1x128xi32, #tpu.memory_space<vmem>> -> memref<128xi32, #tpu.memory_space<vmem>>
      %dma_start3A_243 = arith.constant 0 : i32
      %dma_start3A_244 = arith.constant 0 : i32
      %dma_start3A_245 = tpu.memref_slice %arg2[%dma_start3A_243, %dma_start3A_244] : memref<10000x128xf32, #tpu.memory_space<hbm>> -> memref<10000x128xf32, #tpu.memory_space<hbm>>
      %dma_start3A_246 = tpu.memref_slice %arg9[%dma_start3A_235] : memref<2x!tpu.dma_semaphore, #tpu.memory_space<semaphore_mem>> -> memref<1x!tpu.dma_semaphore, #tpu.memory_space<semaphore_mem>>
      %dma_start3A_247 = tpu.memref_squeeze %dma_start3A_246 : memref<1x!tpu.dma_semaphore, #tpu.memory_space<semaphore_mem>> -> memref<!tpu.dma_semaphore, #tpu.memory_space<semaphore_mem>>
      tpu.enqueue_indirect_dma source(%dma_start3A_245 : memref<10000x128xf32, #tpu.memory_space<hbm>>) target(%dma_start3A_239 : memref<128x128xf32, #tpu.memory_space<vmem>>) offsets(%dma_start3A_242 : memref<128xi32, #tpu.memory_space<vmem>>) semaphore(%dma_start3A_247 : memref<!tpu.dma_semaphore, #tpu.memory_space<semaphore_mem>>)
    }
    %scan3A_125 = arith.constant 19 : i32
    %dma_wait3A_126 = arith.constant 0 : i32
    %dma_wait3A_127 = arith.constant 0 : i32
    %dma_wait3A_128 = arith.constant 0 : i32
    %dma_wait3A_129 = arith.constant 0 : i32
    %dma_wait3A_130 = arith.constant 0 : i32
    %dma_wait3A_131 = tpu.memref_slice %arg7[%dma_wait3A_127, %dma_wait3A_129, %dma_wait3A_130] : memref<2x128x128xf32, #tpu.memory_space<vmem>> -> memref<1x128x128xf32, #tpu.memory_space<vmem>>
    %dma_wait3A_132 = tpu.memref_squeeze %dma_wait3A_131 : memref<1x128x128xf32, #tpu.memory_space<vmem>> -> memref<128x128xf32, #tpu.memory_space<vmem>>
    %dma_wait3A_133 = arith.constant 0 : i32
    %dma_wait3A_134 = tpu.memref_slice %arg5[%dma_wait3A_126, %dma_wait3A_133] : memref<40x128xi32, #tpu.memory_space<vmem>> -> memref<1x128xi32, #tpu.memory_space<vmem>>
    %dma_wait3A_135 = tpu.memref_squeeze %dma_wait3A_134 : memref<1x128xi32, #tpu.memory_space<vmem>> -> memref<128xi32, #tpu.memory_space<vmem>>
    %dma_wait3A_136 = arith.constant 0 : i32
    %dma_wait3A_137 = arith.constant 0 : i32
    %dma_wait3A_138 = tpu.memref_slice %arg2[%dma_wait3A_136, %dma_wait3A_137] : memref<10000x128xf32, #tpu.memory_space<hbm>> -> memref<10000x128xf32, #tpu.memory_space<hbm>>
    %dma_wait3A_139 = tpu.memref_slice %arg9[%dma_wait3A_128] : memref<2x!tpu.dma_semaphore, #tpu.memory_space<semaphore_mem>> -> memref<1x!tpu.dma_semaphore, #tpu.memory_space<semaphore_mem>>
    %dma_wait3A_140 = tpu.memref_squeeze %dma_wait3A_139 : memref<1x!tpu.dma_semaphore, #tpu.memory_space<semaphore_mem>> -> memref<!tpu.dma_semaphore, #tpu.memory_space<semaphore_mem>>
    tpu.wait_indirect_dma semaphore(%dma_wait3A_140 : memref<!tpu.dma_semaphore, #tpu.memory_space<semaphore_mem>>) src(%dma_wait3A_138 : memref<10000x128xf32, #tpu.memory_space<hbm>>) dst(%dma_wait3A_132 : memref<128x128xf32, #tpu.memory_space<vmem>>)
    %run_scoped3A_141 = arith.constant 0 : i32
    %run_scoped3A_142 = arith.constant 38 : i32
    "tpu.region"() ({
      %run_scoped3A_163 = tpu.sem_alloc : memref<!tpu.dma_semaphore, #tpu.memory_space<semaphore_mem>>
      %dma_start3A_164 = arith.constant 0 : i32
      %dma_start3A_165 = arith.constant 0 : i32
      %dma_start3A_166 = tpu.memref_slice %arg7[%run_scoped3A_141, %dma_start3A_164, %dma_start3A_165] : memref<2x128x128xf32, #tpu.memory_space<vmem>> -> memref<1x128x128xf32, #tpu.memory_space<vmem>>
      %dma_start3A_167 = tpu.memref_squeeze %dma_start3A_166 : memref<1x128x128xf32, #tpu.memory_space<vmem>> -> memref<128x128xf32, #tpu.memory_space<vmem>>
      %dma_start3A_168 = arith.constant 0 : i32
      %dma_start3A_169 = tpu.memref_slice %arg6[%run_scoped3A_142, %dma_start3A_168] : memref<40x128xi32, #tpu.memory_space<vmem>> -> memref<1x128xi32, #tpu.memory_space<vmem>>
      %dma_start3A_170 = tpu.memref_squeeze %dma_start3A_169 : memref<1x128xi32, #tpu.memory_space<vmem>> -> memref<128xi32, #tpu.memory_space<vmem>>
      %dma_start3A_171 = arith.constant 0 : i32
      %dma_start3A_172 = arith.constant 0 : i32
      %dma_start3A_173 = tpu.memref_slice %arg8[%dma_start3A_171, %dma_start3A_172] : memref<10112x128xf32, #tpu.memory_space<vmem_shared>> -> memref<10112x128xf32, #tpu.memory_space<vmem_shared>>
      tpu.enqueue_indirect_dma source(%dma_start3A_167 : memref<128x128xf32, #tpu.memory_space<vmem>>) target(%dma_start3A_173 : memref<10112x128xf32, #tpu.memory_space<vmem_shared>>) offsets(%dma_start3A_170 : memref<128xi32, #tpu.memory_space<vmem>>) semaphore(%run_scoped3A_163 : memref<!tpu.dma_semaphore, #tpu.memory_space<semaphore_mem>>) {add = true}
      %dma_wait3A_174 = arith.constant 0 : i32
      %dma_wait3A_175 = arith.constant 0 : i32
      %dma_wait3A_176 = tpu.memref_slice %arg7[%run_scoped3A_141, %dma_wait3A_174, %dma_wait3A_175] : memref<2x128x128xf32, #tpu.memory_space<vmem>> -> memref<1x128x128xf32, #tpu.memory_space<vmem>>
      %dma_wait3A_177 = tpu.memref_squeeze %dma_wait3A_176 : memref<1x128x128xf32, #tpu.memory_space<vmem>> -> memref<128x128xf32, #tpu.memory_space<vmem>>
      %dma_wait3A_178 = arith.constant 0 : i32
      %dma_wait3A_179 = tpu.memref_slice %arg6[%run_scoped3A_142, %dma_wait3A_178] : memref<40x128xi32, #tpu.memory_space<vmem>> -> memref<1x128xi32, #tpu.memory_space<vmem>>
      %dma_wait3A_180 = tpu.memref_squeeze %dma_wait3A_179 : memref<1x128xi32, #tpu.memory_space<vmem>> -> memref<128xi32, #tpu.memory_space<vmem>>
      %dma_wait3A_181 = arith.constant 0 : i32
      %dma_wait3A_182 = arith.constant 0 : i32
      %dma_wait3A_183 = tpu.memref_slice %arg8[%dma_wait3A_181, %dma_wait3A_182] : memref<10112x128xf32, #tpu.memory_space<vmem_shared>> -> memref<10112x128xf32, #tpu.memory_space<vmem_shared>>
      tpu.wait_indirect_dma semaphore(%run_scoped3A_163 : memref<!tpu.dma_semaphore, #tpu.memory_space<semaphore_mem>>) src(%dma_wait3A_177 : memref<128x128xf32, #tpu.memory_space<vmem>>) dst(%dma_wait3A_183 : memref<10112x128xf32, #tpu.memory_space<vmem_shared>>)
      tpu.yield
    }) : () -> ()
    %dma_wait3A_143 = arith.constant 1 : i32
    %dma_wait3A_144 = arith.constant 1 : i32
    %dma_wait3A_145 = arith.constant 1 : i32
    %dma_wait3A_146 = arith.constant 0 : i32
    %dma_wait3A_147 = arith.constant 0 : i32
    %dma_wait3A_148 = tpu.memref_slice %arg7[%dma_wait3A_144, %dma_wait3A_146, %dma_wait3A_147] : memref<2x128x128xf32, #tpu.memory_space<vmem>> -> memref<1x128x128xf32, #tpu.memory_space<vmem>>
    %dma_wait3A_149 = tpu.memref_squeeze %dma_wait3A_148 : memref<1x128x128xf32, #tpu.memory_space<vmem>> -> memref<128x128xf32, #tpu.memory_space<vmem>>
    %dma_wait3A_150 = arith.constant 0 : i32
    %dma_wait3A_151 = tpu.memref_slice %arg5[%dma_wait3A_143, %dma_wait3A_150] : memref<40x128xi32, #tpu.memory_space<vmem>> -> memref<1x128xi32, #tpu.memory_space<vmem>>
    %dma_wait3A_152 = tpu.memref_squeeze %dma_wait3A_151 : memref<1x128xi32, #tpu.memory_space<vmem>> -> memref<128xi32, #tpu.memory_space<vmem>>
    %dma_wait3A_153 = arith.constant 0 : i32
    %dma_wait3A_154 = arith.constant 0 : i32
    %dma_wait3A_155 = tpu.memref_slice %arg2[%dma_wait3A_153, %dma_wait3A_154] : memref<10000x128xf32, #tpu.memory_space<hbm>> -> memref<10000x128xf32, #tpu.memory_space<hbm>>
    %dma_wait3A_156 = tpu.memref_slice %arg9[%dma_wait3A_145] : memref<2x!tpu.dma_semaphore, #tpu.memory_space<semaphore_mem>> -> memref<1x!tpu.dma_semaphore, #tpu.memory_space<semaphore_mem>>
    %dma_wait3A_157 = tpu.memref_squeeze %dma_wait3A_156 : memref<1x!tpu.dma_semaphore, #tpu.memory_space<semaphore_mem>> -> memref<!tpu.dma_semaphore, #tpu.memory_space<semaphore_mem>>
    tpu.wait_indirect_dma semaphore(%dma_wait3A_157 : memref<!tpu.dma_semaphore, #tpu.memory_space<semaphore_mem>>) src(%dma_wait3A_155 : memref<10000x128xf32, #tpu.memory_space<hbm>>) dst(%dma_wait3A_149 : memref<128x128xf32, #tpu.memory_space<vmem>>)
    %run_scoped3A_158 = arith.constant 1 : i32
    %run_scoped3A_159 = arith.constant 39 : i32
    "tpu.region"() ({
      %run_scoped3A_163 = tpu.sem_alloc : memref<!tpu.dma_semaphore, #tpu.memory_space<semaphore_mem>>
      %dma_start3A_164 = arith.constant 0 : i32
      %dma_start3A_165 = arith.constant 0 : i32
      %dma_start3A_166 = tpu.memref_slice %arg7[%run_scoped3A_158, %dma_start3A_164, %dma_start3A_165] : memref<2x128x128xf32, #tpu.memory_space<vmem>> -> memref<1x128x128xf32, #tpu.memory_space<vmem>>
      %dma_start3A_167 = tpu.memref_squeeze %dma_start3A_166 : memref<1x128x128xf32, #tpu.memory_space<vmem>> -> memref<128x128xf32, #tpu.memory_space<vmem>>
      %dma_start3A_168 = arith.constant 0 : i32
      %dma_start3A_169 = tpu.memref_slice %arg6[%run_scoped3A_159, %dma_start3A_168] : memref<40x128xi32, #tpu.memory_space<vmem>> -> memref<1x128xi32, #tpu.memory_space<vmem>>
      %dma_start3A_170 = tpu.memref_squeeze %dma_start3A_169 : memref<1x128xi32, #tpu.memory_space<vmem>> -> memref<128xi32, #tpu.memory_space<vmem>>
      %dma_start3A_171 = arith.constant 0 : i32
      %dma_start3A_172 = arith.constant 0 : i32
      %dma_start3A_173 = tpu.memref_slice %arg8[%dma_start3A_171, %dma_start3A_172] : memref<10112x128xf32, #tpu.memory_space<vmem_shared>> -> memref<10112x128xf32, #tpu.memory_space<vmem_shared>>
      tpu.enqueue_indirect_dma source(%dma_start3A_167 : memref<128x128xf32, #tpu.memory_space<vmem>>) target(%dma_start3A_173 : memref<10112x128xf32, #tpu.memory_space<vmem_shared>>) offsets(%dma_start3A_170 : memref<128xi32, #tpu.memory_space<vmem>>) semaphore(%run_scoped3A_163 : memref<!tpu.dma_semaphore, #tpu.memory_space<semaphore_mem>>) {add = true}
      %dma_wait3A_174 = arith.constant 0 : i32
      %dma_wait3A_175 = arith.constant 0 : i32
      %dma_wait3A_176 = tpu.memref_slice %arg7[%run_scoped3A_158, %dma_wait3A_174, %dma_wait3A_175] : memref<2x128x128xf32, #tpu.memory_space<vmem>> -> memref<1x128x128xf32, #tpu.memory_space<vmem>>
      %dma_wait3A_177 = tpu.memref_squeeze %dma_wait3A_176 : memref<1x128x128xf32, #tpu.memory_space<vmem>> -> memref<128x128xf32, #tpu.memory_space<vmem>>
      %dma_wait3A_178 = arith.constant 0 : i32
      %dma_wait3A_179 = tpu.memref_slice %arg6[%run_scoped3A_159, %dma_wait3A_178] : memref<40x128xi32, #tpu.memory_space<vmem>> -> memref<1x128xi32, #tpu.memory_space<vmem>>
      %dma_wait3A_180 = tpu.memref_squeeze %dma_wait3A_179 : memref<1x128xi32, #tpu.memory_space<vmem>> -> memref<128xi32, #tpu.memory_space<vmem>>
      %dma_wait3A_181 = arith.constant 0 : i32
      %dma_wait3A_182 = arith.constant 0 : i32
      %dma_wait3A_183 = tpu.memref_slice %arg8[%dma_wait3A_181, %dma_wait3A_182] : memref<10112x128xf32, #tpu.memory_space<vmem_shared>> -> memref<10112x128xf32, #tpu.memory_space<vmem_shared>>
      tpu.wait_indirect_dma semaphore(%run_scoped3A_163 : memref<!tpu.dma_semaphore, #tpu.memory_space<semaphore_mem>>) src(%dma_wait3A_177 : memref<128x128xf32, #tpu.memory_space<vmem>>) dst(%dma_wait3A_183 : memref<10112x128xf32, #tpu.memory_space<vmem_shared>>)
      tpu.yield
    }) : () -> ()
    %barrier3A_160 = arith.constant 0 : index
    tpu.barrier barrier_id(%barrier3A_160)
    %mul3A_161 = arith.constant 632 : i32
    %mul3A_162 = arith.muli %arg1, %mul3A_161 : i32
    "tpu.region"() ({
      %run_scoped3A_163 = tpu.sem_alloc : memref<!tpu.dma_semaphore, #tpu.memory_space<semaphore_mem>>
      %dma_start3A_164 = arith.constant 0 : i32
      %dma_start3A_165 = tpu.memref_slice %arg4[%arg0, %mul3A_162, %dma_start3A_164] : memref<2x10112x128xf32, #tpu.memory_space<hbm>> -> memref<1x632x128xf32, #tpu.memory_space<hbm>>
      %dma_start3A_166 = tpu.memref_squeeze %dma_start3A_165 : memref<1x632x128xf32, #tpu.memory_space<hbm>> -> memref<632x128xf32, #tpu.memory_space<hbm>>
      %dma_start3A_167 = arith.constant 0 : i32
      %dma_start3A_168 = tpu.memref_slice %arg8[%mul3A_162, %dma_start3A_167] : memref<10112x128xf32, #tpu.memory_space<vmem_shared>> -> memref<632x128xf32, #tpu.memory_space<vmem_shared>>
      tpu.enqueue_dma source(%dma_start3A_168 : memref<632x128xf32, #tpu.memory_space<vmem_shared>>) target(%dma_start3A_166 : memref<632x128xf32, #tpu.memory_space<hbm>>) target_semaphore(%run_scoped3A_163 : memref<!tpu.dma_semaphore, #tpu.memory_space<semaphore_mem>>)
      %dma_wait3A_169 = arith.constant 0 : i32
      %dma_wait3A_170 = tpu.memref_slice %arg4[%arg0, %mul3A_162, %dma_wait3A_169] : memref<2x10112x128xf32, #tpu.memory_space<hbm>> -> memref<1x632x128xf32, #tpu.memory_space<hbm>>
      %dma_wait3A_171 = tpu.memref_squeeze %dma_wait3A_170 : memref<1x632x128xf32, #tpu.memory_space<hbm>> -> memref<632x128xf32, #tpu.memory_space<hbm>>
      %dma_wait3A_172 = arith.constant 0 : i32
      %dma_wait3A_173 = tpu.memref_slice %arg8[%mul3A_162, %dma_wait3A_172] : memref<10112x128xf32, #tpu.memory_space<vmem_shared>> -> memref<632x128xf32, #tpu.memory_space<vmem_shared>>
      tpu.wait_dma2 semaphore(%run_scoped3A_163 : memref<!tpu.dma_semaphore, #tpu.memory_space<semaphore_mem>>) src(%dma_wait3A_173 : memref<632x128xf32, #tpu.memory_space<vmem_shared>>) dst(%dma_wait3A_171 : memref<632x128xf32, #tpu.memory_space<hbm>>)
      tpu.yield
    }) : () -> ()
    return
  }
}

module attributes {stable_mosaic.version = 14 : i64} {
  func.func @_norm_body(%arg0: i32, %arg1: memref<5000x128xf32, #tpu.memory_space<vmem>>, %arg2: memref<2x5000x128xf32, #tpu.memory_space<vmem>>, %arg3: memref<1x128xf32, #tpu.memory_space<vmem>>, %arg4: memref<1x128xf32, #tpu.memory_space<vmem>>, %arg5: memref<5000x128xf32, #tpu.memory_space<vmem>>) attributes {dimension_semantics = [#tpu.dimension_semantics<arbitrary>], iteration_bounds = array<i64: 2>, scalar_prefetch = 0 : i64, scratch_operands = 0 : i64, tpu.core_type = #tpu.core_type<tc>, window_params = [{transform_indices = @transform_0, window_bounds = array<i64: 5000, 128>}, {transform_indices = @transform_1, window_bounds = array<i64: 2, 5000, 128>}, {pipeline_mode = #tpu.pipeline_mode<synchronous>, transform_indices = @transform_2, window_bounds = array<i64: 1, 128>}, {pipeline_mode = #tpu.pipeline_mode<synchronous>, transform_indices = @transform_3, window_bounds = array<i64: 1, 128>}, {transform_indices = @transform_4, window_bounds = array<i64: 5000, 128>}]} {
    %get3A = arith.constant 0 : index
    %get3A_0 = arith.constant 0 : index
    %get3A_1 = vector.load %arg1[%get3A, %get3A_0] : memref<5000x128xf32, #tpu.memory_space<vmem>>, vector<5000x128xf32>
    %get3A_2 = arith.constant 0 : index
    %get3A_3 = arith.constant 0 : index
    %get3A_4 = arith.constant 0 : index
    %get3A_5 = vector.load %arg2[%get3A_2, %get3A_3, %get3A_4] : memref<2x5000x128xf32, #tpu.memory_space<vmem>>, vector<1x5000x128xf32>
    %get3A_6 = vector.shape_cast %get3A_5 : vector<1x5000x128xf32> to vector<5000x128xf32>
    %add3A = arith.addf %get3A_1, %get3A_6 : vector<5000x128xf32>
    %get3A_7 = arith.constant 1 : index
    %get3A_8 = arith.constant 0 : index
    %get3A_9 = arith.constant 0 : index
    %get3A_10 = vector.load %arg2[%get3A_7, %get3A_8, %get3A_9] : memref<2x5000x128xf32, #tpu.memory_space<vmem>>, vector<1x5000x128xf32>
    %get3A_11 = vector.shape_cast %get3A_10 : vector<1x5000x128xf32> to vector<5000x128xf32>
    %add3A_12 = arith.addf %add3A, %get3A_11 : vector<5000x128xf32>
    %mul3A = arith.mulf %add3A_12, %add3A_12 : vector<5000x128xf32>
    %reduce_sum3A = arith.constant dense<0.000000e+00> : vector<5000xf32>
    %reduce_sum3A_13 = vector.multi_reduction <add>, %mul3A, %reduce_sum3A [1] : vector<5000x128xf32> to vector<5000xf32>
    %broadcast_in_dim3A = vector.shape_cast %reduce_sum3A_13 : vector<5000xf32> to vector<5000x1xf32>
    %div3A = arith.constant 1.280000e+02 : f32
    %div3A_14 = vector.broadcast %div3A : f32 to vector<5000x1xf32>
    %div3A_15 = arith.divf %broadcast_in_dim3A, %div3A_14 : vector<5000x1xf32>
    %add3A_16 = arith.constant 9.99999974E-6 : f32
    %add3A_17 = vector.broadcast %add3A_16 : f32 to vector<5000x1xf32>
    %add3A_18 = arith.addf %div3A_15, %add3A_17 : vector<5000x1xf32>
    %rsqrt3A = math.rsqrt %add3A_18 : vector<5000x1xf32>
    %mul3A_19 = vector.broadcast %rsqrt3A : vector<5000x1xf32> to vector<5000x128xf32>
    %mul3A_20 = arith.mulf %add3A_12, %mul3A_19 : vector<5000x128xf32>
    %get3A_21 = arith.constant 0 : index
    %get3A_22 = arith.constant 0 : index
    %get3A_23 = vector.load %arg3[%get3A_21, %get3A_22] : memref<1x128xf32, #tpu.memory_space<vmem>>, vector<1x128xf32>
    %mul3A_24 = vector.broadcast %get3A_23 : vector<1x128xf32> to vector<5000x128xf32>
    %mul3A_25 = arith.mulf %mul3A_20, %mul3A_24 : vector<5000x128xf32>
    %get3A_26 = arith.constant 0 : index
    %get3A_27 = arith.constant 0 : index
    %get3A_28 = vector.load %arg4[%get3A_26, %get3A_27] : memref<1x128xf32, #tpu.memory_space<vmem>>, vector<1x128xf32>
    %add3A_29 = vector.broadcast %get3A_28 : vector<1x128xf32> to vector<5000x128xf32>
    %add3A_30 = arith.addf %mul3A_25, %add3A_29 : vector<5000x128xf32>
    %swap3A = arith.constant 0 : index
    %swap3A_31 = arith.constant 0 : index
    %swap3A_32 = vector.load %arg5[%swap3A, %swap3A_31] : memref<5000x128xf32, #tpu.memory_space<vmem>>, vector<5000x128xf32>
    tpu.vector_store %arg5[%swap3A, %swap3A_31], %add3A_30 {strides = array<i32>} : memref<5000x128xf32, #tpu.memory_space<vmem>>, vector<5000x128xf32>,
    return
  }
  func.func @transform_0(%arg0: i32) -> (i32, i32) {
    %c0_i32 = arith.constant 0 : i32
    %c0_i32_0 = arith.constant 0 : i32
    return %arg0, %c0_i32 : i32, i32
  }
  func.func @transform_1(%arg0: i32) -> (i32, i32, i32) {
    %c0_i32 = arith.constant 0 : i32
    %c0_i32_0 = arith.constant 0 : i32
    %c0_i32_1 = arith.constant 0 : i32
    return %c0_i32, %arg0, %c0_i32_0 : i32, i32, i32
  }
  func.func @transform_2(%arg0: i32) -> (i32, i32) {
    %c0_i32 = arith.constant 0 : i32
    %c0_i32_0 = arith.constant 0 : i32
    %c0_i32_1 = arith.constant 0 : i32
    return %c0_i32, %c0_i32_0 : i32, i32
  }
  func.func @transform_3(%arg0: i32) -> (i32, i32) {
    %c0_i32 = arith.constant 0 : i32
    %c0_i32_0 = arith.constant 0 : i32
    %c0_i32_1 = arith.constant 0 : i32
    return %c0_i32, %c0_i32_0 : i32, i32
  }
  func.func @transform_4(%arg0: i32) -> (i32, i32) {
    %c0_i32 = arith.constant 0 : i32
    %c0_i32_0 = arith.constant 0 : i32
    return %arg0, %c0_i32 : i32, i32
  }
}

module attributes {stable_mosaic.version = 14 : i64} {
  func.func @_linrelu_body(%arg0: i32, %arg1: memref<5000x128xf32, #tpu.memory_space<vmem>>, %arg2: memref<128x128xf32, #tpu.memory_space<vmem>>, %arg3: memref<1x128xf32, #tpu.memory_space<vmem>>, %arg4: memref<5000x128xf32, #tpu.memory_space<vmem>>) attributes {dimension_semantics = [#tpu.dimension_semantics<arbitrary>], iteration_bounds = array<i64: 2>, scalar_prefetch = 0 : i64, scratch_operands = 0 : i64, tpu.core_type = #tpu.core_type<tc>, window_params = [{transform_indices = @transform_0, window_bounds = array<i64: 5000, 128>}, {pipeline_mode = #tpu.pipeline_mode<synchronous>, transform_indices = @transform_1, window_bounds = array<i64: 128, 128>}, {pipeline_mode = #tpu.pipeline_mode<synchronous>, transform_indices = @transform_2, window_bounds = array<i64: 1, 128>}, {transform_indices = @transform_3, window_bounds = array<i64: 5000, 128>}]} {
    %get3A = arith.constant 0 : index
    %get3A_0 = arith.constant 0 : index
    %get3A_1 = vector.load %arg1[%get3A, %get3A_0] : memref<5000x128xf32, #tpu.memory_space<vmem>>, vector<5000x128xf32>
    %get3A_2 = arith.constant 0 : index
    %get3A_3 = arith.constant 0 : index
    %get3A_4 = vector.load %arg2[%get3A_2, %get3A_3] : memref<128x128xf32, #tpu.memory_space<vmem>>, vector<128x128xf32>
    %dot_general3A = arith.constant dense<0.000000e+00> : vector<5000x128xf32>
    %dot_general3A_5 = tpu.matmul %get3A_1, %get3A_4, %dot_general3A {dimension_numbers = #tpu.dot_dimension_numbers<[1], [0], [0], [1], [0, 0, 1, 1], [], []>, transpose_lhs_hint = false} : vector<5000x128xf32>, vector<128x128xf32>, vector<5000x128xf32> -> vector<5000x128xf32>
    %get3A_6 = arith.constant 0 : index
    %get3A_7 = arith.constant 0 : index
    %get3A_8 = vector.load %arg3[%get3A_6, %get3A_7] : memref<1x128xf32, #tpu.memory_space<vmem>>, vector<1x128xf32>
    %add3A = vector.broadcast %get3A_8 : vector<1x128xf32> to vector<5000x128xf32>
    %add3A_9 = arith.addf %dot_general3A_5, %add3A : vector<5000x128xf32>
    %max3A = arith.constant 0.000000e+00 : f32
    %max3A_10 = vector.broadcast %max3A : f32 to vector<5000x128xf32>
    %max3A_11 = arith.maximumf %add3A_9, %max3A_10 : vector<5000x128xf32>
    %swap3A = arith.constant 0 : index
    %swap3A_12 = arith.constant 0 : index
    %swap3A_13 = vector.load %arg4[%swap3A, %swap3A_12] : memref<5000x128xf32, #tpu.memory_space<vmem>>, vector<5000x128xf32>
    tpu.vector_store %arg4[%swap3A, %swap3A_12], %max3A_11 {strides = array<i32>} : memref<5000x128xf32, #tpu.memory_space<vmem>>, vector<5000x128xf32>,
    return
  }
  func.func @transform_0(%arg0: i32) -> (i32, i32) {
    %c0_i32 = arith.constant 0 : i32
    %c0_i32_0 = arith.constant 0 : i32
    return %arg0, %c0_i32 : i32, i32
  }
  func.func @transform_1(%arg0: i32) -> (i32, i32) {
    %c0_i32 = arith.constant 0 : i32
    %c0_i32_0 = arith.constant 0 : i32
    %c0_i32_1 = arith.constant 0 : i32
    return %c0_i32, %c0_i32_0 : i32, i32
  }
  func.func @transform_2(%arg0: i32) -> (i32, i32) {
    %c0_i32 = arith.constant 0 : i32
    %c0_i32_0 = arith.constant 0 : i32
    %c0_i32_1 = arith.constant 0 : i32
    return %c0_i32, %c0_i32_0 : i32, i32
  }
  func.func @transform_3(%arg0: i32) -> (i32, i32) {
    %c0_i32 = arith.constant 0 : i32
    %c0_i32_0 = arith.constant 0 : i32
    return %arg0, %c0_i32 : i32, i32
  }
}

</mosaic_0001>

<sc_bundles>
// kernel: kernel.5.cloned.1.call-start
scs
__scs_entry_jumppad:
0x0: {  	(pc) =	sbr.rel $0x88, $3  }
0x1: {  	(tag) =	ssettag $0x0;
	lr =	simm.s32 $0x1  }
0x2: {  	[smem:$0x3F9B] =	sst lr;
	_ =	strace $0xD0000000  }
0x3: {  	_ = 	snop  }
0x4: {  	_ = 	snop  }
0x5: {  	_ = 	snop  }
0x6: {  	_ = 	snop  }
0x7: {  	_ = 	snop  }
__scs_overlays_trampoline_lowered:
0x8: {  	[smem:$0x3FAA] =	sst s0  }
0x9: {  	[smem:$0x3FAB] =	sst s1  }
0xa: {  	[smem:$0x3FAC] =	sst s2  }
0xb: {  	[smem:$0x3FAD] =	sst s3  }
0xc: {  	[smem:$0x3FAE] =	sst s4  }
0xd: {  	[smem:$0x3FAF] =	sst s5  }
0xe: {  	[smem:$0x3FB0] =	sst s6  }
0xf: {  	[smem:$0x3FB1] =	sst s7  }
0x10: {  	[smem:$0x3FB2] =	sst s8  }
0x11: {  	[smem:$0x3FB3] =	sst s9;
	s0 =	simm.s32 @!p0 $0x0  }
0x12: {  	s1 =	sld [smem:$0x3F99];
	s0 =	simm.s32 @p0 $0x1  }
0x13: {  	[smem:$0x3FB4] =	sst s0;
	s0 =	simm.s32 @!p1 $0x0  }
0x14: {  	s2 =	sld [smem:$0x3F98];
	s0 =	simm.s32 @p1 $0x1  }
0x15: {  	[smem:$0x3FB5] =	sst s0;
	s0 =	simm.s32 @!p2 $0x0  }
0x16: {  	s3 =	sld [smem:$0x3FDB];
	s0 =	simm.s32 @p2 $0x1  }
0x17: {  	s4 =	simm.s32 $0x1BF5;
	[smem:$0x3FB7] =	sst s0  }
0x18: {  	s0 =	sld [smem:$0x3F9A];
	_ =	swait.ge [sflag:s4], $0x0  }
0x19: {  	s7 =	sld [smem:$0x3F9B]  }
0x1a: {  	s8 =	sadd.s32 $0xFFFFE003, lr  }
0x1b: {  	s9 =	sadd.s32 $0xFFFFFEF7, lr;
	s5 =	simm.s32 $0xFFFFFFFF;
	p2 =	slt.u32 s8, $0xFFFFF086  }
0x1c: {  	p1 =	slt.u32 s9, $0xF7A;
	s5 =	simm.s32 @!p2 $0x0  }
0x1d: {  	s5 =	simm.s32 @p1 $0x1;
	p0 =	seq.s32 s7, s2  }
0x1e: {  	s7 =	smul.u32 @!p0 $0xF7A, s2;
	p2 =	seq.s32 @!p0 s5, $0x0  }
0x1f: {  	s9 =	smul.u32 $0xF7A, s1;
	s8 =	simm.s32 @!p0 $0x1BF5;
	p2 =	por !p2, p0  }
0x20: {  	[sflag:s8] =	ssyncset.s32 @!p0 $0xFFFFF086;
	s6 =	sadd.s32 @!p0 s3, s7;
	s7 =	simm.s32 @!p0 $0x108  }
0x21: {  	s3 =	sadd.s32 s3, s9;
	s6 =	sadd.s32 @!p0 $0x88, s6;
	s7 =	simm.s32 @p2 $0x1082  }
0x22: {  	[simem:s7], [sflag:s8] =	dma.local @!p0 [hbm:s6], $0xF7A  }
0x23: {  	s9 =	sor.u32 $0xD0000000, s2;
	s6 =	simm.s32 $0x108;
	_ =	swait.ge @!p0 [sflag:s8], $0x0  }
0x24: {  	s3 =	sadd.s32 $0x88, s3;
	s6 =	simm.s32 @!p1 $0x1082;
	[sflag:s4] =	ssyncset.s32 $0xFFFFF086  }
0x25: {  	[simem:s6], [sflag:s4] =	dma.local [hbm:s3], $0xF7A  }
0x26: {  	[smem:$0x3F9B] =	sst s1;
	(tag) =	ssettag s2;
	_ =	strace s9  }
0x27: {  	s1 =	sld [smem:$0x3FAB]  }
0x28: {  	s2 =	sld [smem:$0x3FAC]  }
0x29: {  	s4 =	sld [smem:$0x3FAE]  }
0x2a: {  	p0 =	seq.s32 s5, $0x0;
	s5 =	sld [smem:$0x3FAF]  }
0x2b: {  	s6 =	sld [smem:$0x3FB0]  }
0x2c: {  	s7 =	sld [smem:$0x3FB1]  }
0x2d: {  	s3 =	simm.s32 $0x108;
	s8 =	sld [smem:$0x3FB2]  }
0x2e: {  	s3 =	simm.s32 @!p0 $0x1082;
	s9 =	sld [smem:$0x3FB3]  }
0x2f: {  	lr =	sadd.s32 s0, s3;
	s0 =	sld [smem:$0x3FAA]  }
0x30: {  	s3 =	sld [smem:$0x3FAD]  }
0x31: {  	[smem:$0x3FB6] =	sst s10  }
0x32: {  	s10 =	sld [smem:$0x3FB4];
	_ =	sdelay $0x3  }
0x33: {  	p0 =	seq.s32 s10, $0x1;
	s10 =	sld [smem:$0x3FB6];
	_ =	sdelay $0x3  }
0x34: {  	[smem:$0x3FB6] =	sst s10  }
0x35: {  	s10 =	sld [smem:$0x3FB5];
	_ =	sdelay $0x3  }
0x36: {  	p1 =	seq.s32 s10, $0x1;
	s10 =	sld [smem:$0x3FB6];
	_ =	sdelay $0x3  }
0x37: {  	[smem:$0x3FB6] =	sst s10  }
0x38: {  	s10 =	sld [smem:$0x3FB7]  }
0x39: {  	_ = 	snop;
	(pc) =	sbr.ind lr, $3  }
0x3a: {  	_ = 	snop  }
0x3b: {  	_ = 	snop  }
0x3c: {  	p2 =	seq.s32 s10, $0x1;
	s10 =	sld [smem:$0x3FB6]  }
0x3d: {  	_ =	shalt  }
0x3e: {  	_ =	shalt  }
0x3f: {  	_ =	shalt  }
0x40: {  	_ =	shalt  }
0x41: {  	_ =	shalt  }
0x42: {  	_ =	shalt  }
0x43: {  	_ =	shalt  }
0x44: {  	_ =	shalt  }
0x45: {  	_ =	shalt  }
0x46: {  	_ =	shalt  }
0x47: {  	_ =	shalt  }
0x48: {  	_ =	shalt  }
0x49: {  	_ =	shalt  }
0x4a: {  	_ =	shalt  }
0x4b: {  	_ =	shalt  }
0x4c: {  	_ =	shalt  }
0x4d: {  	_ =	shalt  }
0x4e: {  	_ =	shalt  }
0x4f: {  	_ =	shalt  }
0x50: {  	_ =	shalt  }
0x51: {  	_ =	shalt  }
0x52: {  	_ =	shalt  }
0x53: {  	_ =	shalt  }
0x54: {  	_ =	shalt  }
0x55: {  	_ =	shalt  }
0x56: {  	_ =	shalt  }
0x57: {  	_ =	shalt  }
0x58: {  	_ =	shalt  }
0x59: {  	_ =	shalt  }
0x5a: {  	_ =	shalt  }
0x5b: {  	_ =	shalt  }
0x5c: {  	_ =	shalt  }
0x5d: {  	_ =	shalt  }
0x5e: {  	_ =	shalt  }
0x5f: {  	_ =	shalt  }
0x60: {  	_ =	shalt  }
0x61: {  	_ =	shalt  }
0x62: {  	_ =	shalt  }
0x63: {  	_ =	shalt  }
0x64: {  	_ =	shalt  }
0x65: {  	_ =	shalt  }
0x66: {  	_ =	shalt  }
0x67: {  	_ =	shalt  }
0x68: {  	_ =	shalt  }
0x69: {  	_ =	shalt  }
0x6a: {  	_ =	shalt  }
0x6b: {  	_ =	shalt  }
0x6c: {  	_ =	shalt  }
0x6d: {  	_ =	shalt  }
0x6e: {  	_ =	shalt  }
0x6f: {  	_ =	shalt  }
0x70: {  	_ =	shalt  }
0x71: {  	_ =	shalt  }
0x72: {  	_ =	shalt  }
0x73: {  	_ =	shalt  }
0x74: {  	_ =	shalt  }
0x75: {  	_ =	shalt  }
0x76: {  	_ =	shalt  }
0x77: {  	_ =	shalt  }
0x78: {  	_ =	shalt  }
0x79: {  	_ =	shalt  }
0x7a: {  	_ =	shalt  }
0x7b: {  	_ =	shalt  }
0x7c: {  	_ =	shalt  }
0x7d: {  	_ =	shalt  }
0x7e: {  	_ =	shalt  }
0x7f: {  	_ =	shalt  }
0x80: {  	_ =	shalt  }
0x81: {  	_ =	shalt  }
0x82: {  	_ =	shalt  }
0x83: {  	_ =	shalt  }
0x84: {  	_ =	shalt  }
0x85: {  	_ =	shalt  }
0x86: {  	_ =	shalt  }
0x87: {  	_ =	shalt  }
.Lfunc_end0:
.L_simem_size_0:
called_computation_lowered:
.L_overlay_start_0:
0x88: {  	s2 =	sld [smem:$0x3FD9]  }
0x89: {  	s3 =	sld [smem:$0x3FFE];
	_ =	sdelay $0x1  }
0x8a: {  	s1 =	srdreg.scid  }
0x8b: {  	s0 =	sand.u32 $0x1, s1  }
0x8c: {  	s17 =	sshll.u32 s0, $0xA;
	s2 =	sadd.s32 s3, s2  }
0x8d: {  	s2 =	sadd.s32 s2, s17  }
0x8e: {  	[smem:$0x3FC2] =	sst s2  }
0x8f: {  	_ = 	snop  }
0x90: {  	s2 =	sld [smem:$0x3FD0];
	(tm) =	ssettm $0x1  }
0x91: {  	s18 =	sld [smem:$0x3FFB];
	_ =	sdelay $0x3  }
0x92: {  	_ =	strace s18  }
0x93: {  	s3 =	sld [smem:$0x3FFC];
	_ =	sdelay $0x3  }
0x94: {  	_ =	strace s3  }
0x95: {  	s3 =	sld [smem:$0x3FFD];
	_ =	sdelay $0x3  }
0x96: {  	_ =	strace s3  }
0x97: {  	_ =	strace $0x8FFFFFFF  }
0x98: {  	s19 =	sld [smem:$0x3FDB];
	_ =	sdelay $0x1  }
0x99: {  	s4 =	simm.s32 $_scs_section_size  }
0x9a: {  	s5 =	simm.s32 $_size__tile_overlayer_lowered;
	s6 =	simm.s32 $_tile_overlayer_lowered  }
0x9b: {  	s22 =	simm.s32 $0x1BFF;
	s21 =	sshll.u32 s6, $0x1;
	s3 =	sadd.s32 s4, s19  }
0x9c: {  	s7 =	simm.s32 $0x0;
	s20 =	sshll.u32 s5, $0x1;
	s5 =	sadd.s32 s21, s3  }
0x9d: {  	[timem:s7], [sflag:s22] =	dma.local [hbm:s5], s20  }
0x9e: {  	_ =	swait.ge [sflag:s22], s20  }
0x9f: {  	s4 =	ssub.s32 $0x0, s20;
	[sflag:s22] =	ssyncset.done $0x0  }
0xa0: {  	[sflag:s22] =	ssyncadd.s32 s4;
	_ =	sdelay $0x1  }
0xa1: {  	s23 =	simm.s32 $0x1B8B  }
0xa2: {  	_ =	swait.ge [sflag:s23], $0x1  }
0xa3: {  	[sflag:s23] =	ssyncset.done $0x0  }
0xa4: {  	s25 =	simm.s32 $0x1B8E;
	s24 =	sld [smem:$0x3FFE];
	[sflag:s23] =	ssyncadd.s32 $0xFFFFFFFF  }
0xa5: {  	s26 =	simm.s32 $execute0_lowered;
	[smem:$0x3FD2] =	sst s25  }
0xa6: {  	s5 =	sshll.u32 s26, $0x1;
	_ =	strace $0x80000046;
	[dreg:$0x1] =	wrdreg $0xFFFFFFFF  }
0xa7: {  	s28 =	simm.s32 $_size_execute0_lowered;
	s3 =	sadd.s32 s3, s5;
	[dreg:$0x0] =	wrdreg $0x0  }
0xa8: {  	s5 =	sshll.u32 s28, $0x1;
	[dreg:$0x2] =	wrdreg s3  }
0xa9: {  	[dreg:$0x3] =	wrdreg s5  }
0xaa: {  	[dreg:$0x4] =	wrdreg $0xC0  }
0xab: {  	_ =	task [dreg:s7], $0x5FFFF  }
0xac: {  	[dreg:$0x1] =	wrdreg $0xFFFFFFFF  }
0xad: {  	[dreg:$0x0] =	wrdreg $0x60  }
0xae: {  	[dreg:$0x2] =	wrdreg s2  }
0xaf: {  	[dreg:$0x3] =	wrdreg s24  }
0xb0: {  	[dreg:$0x4] =	wrdreg $0xA8000  }
0xb1: {  	[dreg:$0x5] =	wrdreg $0x9  }
0xb2: {  	_ =	task.clear_ibuf [dreg:s7], $0x6FFFF;
	_ =	strace $0x90000046  }
0xb3: {  	s29 =	simm.s32 $0x9;
	_ =	strace $0x80000048  }
0xb4: {  	_ =	swait.ge [sflag:s29], $0x1  }
0xb5: {  	[sflag:s29] =	ssyncadd.s32 $0xFFFFFFFF  }
0xb6: {  	_ =	strace $0x90000048  }
0xb7: {  	_ =	sfence  }
0xb8: {  	s30 =	sld [smem:$0x0];
	_ =	sdelay $0x2  }
0xb9: {  	s31 =	sshll.u32 s1, $0xD;
	s1 =	sshrl.u32 s1, $0x2  }
0xba: {  	s3 =	sand.u32 $0x4000, s31;
	s1 =	sadd.s32 s1, s30  }
0xbb: {  	s0 =	sor.u32 s3, s0;
	s1 =	sshll.u32 s1, $0x11  }
0xbc: {  	s0 =	sor.u32 s1, s0  }
0xbd: {  	s0 =	sadd.s32 $0x8F2B, s0  }
0xbe: {  	[sflag:s0] =	ssyncadd.remote.s32 $0x1  }
0xbf: {  	_ =	sfence.sel $0xFFFF  }
0xc0: {  	[dreg:$0x0] =	wrdreg $0xFFFFFFFF;
	(pc) =	sbr.abs _section_cstart, $3  }
0xc1: {  	[dreg:$0x1] =	wrdreg $0xFFFFFFFF  }
0xc2: {  	_ =	task.clear_ibuf [dreg:s7], $0x2FFFF;
	_ =	strace $0x9FFFFFFF  }
0xc3: {  	(tm) =	ssettm $0x7FFFFFFF  }
tec
execute0_lowered:
.L_overlay_start_1:
0x0: {  	(tag) =	ssettag $0x1  }
0x1: {  	s1 =	rddreg [dreg:$0x0]  }
0x2: {  	s6 =	rddreg [dreg:$0x1]  }
0x3: {  	s0 =	srdreg.scid;
	s3 =	rddreg [dreg:$0x2]  }
0x4: {  	s4 =	simm.s32 $0x0;
	s16 =	simm.s32 $0x3;
	s17 =	simm.s32 $0x1400  }
0x5: {  	s18 =	simm.s32 $0x2800;
	s19 =	simm.s32 $0x80;
	s20 =	simm.s32 $0x6800  }
0x6: {  	s21 =	simm.s32 $0x1;
	s22 =	simm.s32 $0x2;
	s23 =	simm.s32 $0x2700  }
0x7: {  	s24 =	simm.s32 $0x2780;
	s5 =	sand.u32 $0x1, s0;
	s0 =	stileid.u32  }
0x8: {  	s25 =	simm.s32 $0x0;
	[smem:$0x7FF] =	sst s4;
	s8 =	smul.u32 $0x13C000, s5  }
0x9: {  	s2 =	sshll.u32 s5, $0x4;
	s9 =	smul.u32 $0x13C00, s0;
	s5 =	ssub.s32 $0x2, s5  }
0xa: {  	s28 =	smul.u32 $0x4F000, s0;
	s2 =	sor.u32 s0, s2;
	s30 =	sshrl.u32 s5, $0x1  }
0xb: {  	s7 =	smul.u32 $0x2800, s2;
	s2 =	rddreg [dreg:$0x3];
	_ =	strace $0x80000047  }
0xc: {  	s8 =	sadd.s32 s9, s8;
	s12 =	ssub.s32 s5, s30;
	s31 =	sshrl.u32 s28, $0x2  }
0xd: {  	s29 =	sshrl.u32 s8, $0x3;
	s12 =	smax.u32 s12, $0x1;
	s7 =	sshrl.u32 s7, $0x3  }
0xe: {  	s11 =	sadd.s32 s29, s6;
	s10 =	sadd.s32 s7, s6;
	s7 =	sadd.s32 s31, s3  }
0xf: {  	s11 =	sadd.s32 $0x15800, s11;
	s5 =	sadd.s32 $0x1800, s10;
	s6 =	sadd.s32 $0xB800, s10  }
0x10: {  	s8 =	sadd.s32 $0x10000, s7;
	s9 =	sadd.s32 $0x1A80, s10;
	s10 =	sadd.s32 $0xBA80, s10  }
0x11: {  	v0 =	vimm.f32 $0.0e+00;
	s13 =	sadd.s32 $0x4000, s7;
	s14 =	sadd.s32 $0x8000, s7;
	s15 =	sadd.s32 $0xC000, s7  }
.LBB2_1:
0x12: {  	[tilespmem:s4], [sflag:$0x3] =	stream.linear.gather [hbm4b:s5+s4], $0x1400, $0x38;
	[tilespmem:$0x1E400] =	vst v63  }
0x13: {  	_ =	swait.ge [sflag:s16], $0x1400  }
0x14: {  	[sflag:s16] =	ssyncset.done $0x0  }
0x15: {  	[sflag:s16] =	ssyncadd.s32 $0xFFFFEC00  }
0x16: {  	[tilespmem:s17], [sflag:$0x3] =	stream.linear.gather [hbm4b:s6+s4], $0x1400, $0x38;
	[tilespmem:$0x1E400] =	vst v63  }
0x17: {  	_ =	swait.ge [sflag:s16], $0x1400  }
0x18: {  	[sflag:s16] =	ssyncset.done $0x0  }
0x19: {  	s26 =	simm.s32 $0x0;
	s28 =	simm.s32 $0x200;
	[sflag:s16] =	ssyncadd.s32 $0xFFFFEC00  }
.LBB2_2:
0x1a: {  	p0 =	sne.s32 s28, $0xFE00;
	[tilespmem:s26+$0x2870] =	vst v0  }
0x1b: {  	[tilespmem:s26+$0x2800] =	vst v0  }
0x1c: {  	[tilespmem:s26+$0x2810] =	vst v0  }
.Ltmp0:
0x1d: {  	[tilespmem:s26+$0x2820] =	vst v0;
	(pc) =	sbr.rel @p0 .LBB2_2-.Ltmp0, $4  }
0x1e: {  	[tilespmem:s26+$0x2830] =	vst v0  }
0x1f: {  	[tilespmem:s26+$0x2840] =	vst v0  }
0x20: {  	[tilespmem:s26+$0x2850] =	vst v0  }
0x21: {  	[tilespmem:s26+$0x2860] =	vst v0;
	s26 =	sshra.s32 s28, $0x2;
	s28 =	sadd.s32 $0x200, s28  }
0x22: {  	[tilespmem:s26+$0x2870] =	vst v0  }
0x23: {  	[tilespmem:s26+$0x2800] =	vst v0  }
0x24: {  	[tilespmem:s26+$0x2810] =	vst v0  }
0x25: {  	[tilespmem:s26+$0x2820] =	vst v0  }
0x26: {  	[tilespmem:s26+$0x2830] =	vst v0  }
0x27: {  	[tilespmem:s26+$0x2840] =	vst v0  }
0x28: {  	[tilespmem:s26+$0x2850] =	vst v0  }
0x29: {  	[tilespmem:s26+$0x2860] =	vst v0  }
0x2a: {  	[spmem:s7] =	stream.linear.scatter [tilespmem:s18], [sflag:$0x3], $0x4000, $0x38;
	[tilespmem:$0x1E400] =	vst v63  }
0x2b: {  	_ =	swait.ge [sflag:s16], $0x4000  }
0x2c: {  	[sflag:s16] =	ssyncset.done $0x0  }
0x2d: {  	[sflag:s16] =	ssyncadd.s32 $0xFFFFC000  }
0x2e: {  	[spmem:s13] =	stream.linear.scatter [tilespmem:s18], [sflag:$0x3], $0x4000, $0x38;
	[tilespmem:$0x1E400] =	vst v63  }
0x2f: {  	_ =	swait.ge [sflag:s16], $0x4000  }
0x30: {  	[sflag:s16] =	ssyncset.done $0x0  }
0x31: {  	[sflag:s16] =	ssyncadd.s32 $0xFFFFC000  }
0x32: {  	[spmem:s14] =	stream.linear.scatter [tilespmem:s18], [sflag:$0x3], $0x4000, $0x38;
	[tilespmem:$0x1E400] =	vst v63  }
0x33: {  	_ =	swait.ge [sflag:s16], $0x4000  }
0x34: {  	[sflag:s16] =	ssyncset.done $0x0  }
0x35: {  	[sflag:s16] =	ssyncadd.s32 $0xFFFFC000  }
0x36: {  	[spmem:s15] =	stream.linear.scatter [tilespmem:s18], [sflag:$0x3], $0x4000, $0x38;
	[tilespmem:$0x1E400] =	vst v63  }
0x37: {  	_ =	swait.ge [sflag:s16], $0x4000  }
0x38: {  	[sflag:s16] =	ssyncset.done $0x0  }
0x39: {  	[sflag:s16] =	ssyncadd.s32 $0xFFFFC000  }
0x3a: {  	[spmem:s8] =	stream.linear.scatter [tilespmem:s18], [sflag:$0x3], $0x3C00, $0x38;
	[tilespmem:$0x1E400] =	vst v63  }
0x3b: {  	_ =	swait.ge [sflag:s16], $0x3C00  }
0x3c: {  	[sflag:s16] =	ssyncset.done $0x0  }
0x3d: {  	s31 =	simm.s32 $0x0;
	[sflag:s16] =	ssyncadd.s32 $0xFFFFC400  }
0x3e: {  	[tilespmem:s18], [sflag:$0x1] =	stream.indirect.gather [hbm4b:s1+s19], $0x80, s31, s19, $0xb8;
	[tilespmem:$0x1E400] =	vst v63  }
0x3f: {  	_ = 	snop  }
0x40: {  	[tilespmem:s20], [sflag:$0x2] =	stream.indirect.gather [hbm4b:s1+s19], $0x80, s19, s19, $0xb8;
	[tilespmem:$0x1E400] =	vst v63  }
0x41: {  	[bflag:$0x0] =	sbarrier.arrive $0xFFFF  }
0x42: {  	_ =	swait.ge [sflag:s21], $0x4000  }
0x43: {  	[sflag:s21] =	ssyncset.done $0x0  }
0x44: {  	s29 =	simm.s32 $0x1400;
	[sflag:s21] =	ssyncadd.s32 $0xFFFFC000  }
0x45: {  	[spmem:s3] =	stream.indirect.scatter.add.f32 [tilespmem:s18], [sflag:$0x3], $0x80, s29, s19, $0xb8;
	[tilespmem:$0x1E400] =	vst v63  }
0x46: {  	_ =	swait.ge [sflag:s16], $0x4000  }
0x47: {  	[sflag:s16] =	ssyncset.done $0x0  }
0x48: {  	s30 =	simm.s32 $0x100;
	[sflag:s16] =	ssyncadd.s32 $0xFFFFC000  }
0x49: {  	[tilespmem:s18], [sflag:$0x1] =	stream.indirect.gather [hbm4b:s1+s19], $0x80, s30, s19, $0xb8;
	[tilespmem:$0x1E400] =	vst v63  }
0x4a: {  	_ =	swait.ge [sflag:s22], $0x4000  }
0x4b: {  	[sflag:s22] =	ssyncset.done $0x0  }
0x4c: {  	s31 =	simm.s32 $0x1480;
	[sflag:s22] =	ssyncadd.s32 $0xFFFFC000  }
0x4d: {  	[spmem:s3] =	stream.indirect.scatter.add.f32 [tilespmem:s20], [sflag:$0x3], $0x80, s31, s19, $0xb8;
	[tilespmem:$0x1E400] =	vst v63  }
0x4e: {  	_ =	swait.ge [sflag:s16], $0x4000  }
0x4f: {  	[sflag:s16] =	ssyncset.done $0x0  }
0x50: {  	s26 =	simm.s32 $0x400;
	s28 =	simm.s32 $0x180;
	[sflag:s16] =	ssyncadd.s32 $0xFFFFC000  }
.LBB2_4:
0x51: {  	[tilespmem:s20], [sflag:$0x2] =	stream.indirect.gather [hbm4b:s1+s19], $0x80, s28, s19, $0xb8;
	[tilespmem:$0x1E400] =	vst v63  }
0x52: {  	s28 =	smov.u32 s26  }
0x53: {  	p0 =	sne.s32 s26, $0x4800;
	s26 =	sadd.s32 $0x400, s26;
	_ =	swait.ge [sflag:s21], $0x4000  }
0x54: {  	s28 =	sshra.s32 s28, $0x2;
	[sflag:s21] =	ssyncset.done $0x0  }
0x55: {  	s29 =	sadd.s32 $0x1400, s28;
	[sflag:s21] =	ssyncadd.s32 $0xFFFFC000  }
0x56: {  	[spmem:s3] =	stream.indirect.scatter.add.f32 [tilespmem:s18], [sflag:$0x3], $0x80, s29, s19, $0xb8;
	[tilespmem:$0x1E400] =	vst v63  }
0x57: {  	_ =	swait.ge [sflag:s16], $0x4000  }
0x58: {  	[sflag:s16] =	ssyncset.done $0x0  }
0x59: {  	s29 =	sadd.s32 $0x100, s28;
	[sflag:s16] =	ssyncadd.s32 $0xFFFFC000  }
0x5a: {  	[tilespmem:s18], [sflag:$0x1] =	stream.indirect.gather [hbm4b:s1+s19], $0x80, s29, s19, $0xb8;
	[tilespmem:$0x1E400] =	vst v63  }
0x5b: {  	_ =	swait.ge [sflag:s22], $0x4000  }
0x5c: {  	[sflag:s22] =	ssyncset.done $0x0  }
.Ltmp1:
0x5d: {  	s29 =	sadd.s32 $0x1480, s28;
	[sflag:s22] =	ssyncadd.s32 $0xFFFFC000;
	(pc) =	sbr.rel @p0 .LBB2_4-.Ltmp1, $4  }
0x5e: {  	[spmem:s3] =	stream.indirect.scatter.add.f32 [tilespmem:s20], [sflag:$0x3], $0x80, s29, s19, $0xb8;
	[tilespmem:$0x1E400] =	vst v63  }
0x5f: {  	_ =	swait.ge [sflag:s16], $0x4000  }
0x60: {  	[sflag:s16] =	ssyncset.done $0x0  }
0x61: {  	s28 =	sadd.s32 $0x180, s28;
	[sflag:s16] =	ssyncadd.s32 $0xFFFFC000  }
0x62: {  	[tilespmem:s20], [sflag:$0x2] =	stream.indirect.gather [hbm4b:s1+s19], $0x80, s28, s19, $0xb8;
	[tilespmem:$0x1E400] =	vst v63  }
0x63: {  	_ =	swait.ge [sflag:s21], $0x4000  }
0x64: {  	[sflag:s21] =	ssyncset.done $0x0  }
0x65: {  	[sflag:s21] =	ssyncadd.s32 $0xFFFFC000  }
0x66: {  	[spmem:s3] =	stream.indirect.scatter.add.f32 [tilespmem:s18], [sflag:$0x3], $0x80, s23, s19, $0xb8;
	[tilespmem:$0x1E400] =	vst v63  }
0x67: {  	_ =	swait.ge [sflag:s16], $0x4000  }
0x68: {  	[sflag:s16] =	ssyncset.done $0x0  }
0x69: {  	[sflag:s16] =	ssyncadd.s32 $0xFFFFC000  }
0x6a: {  	_ =	swait.ge [sflag:s22], $0x4000  }
0x6b: {  	[sflag:s22] =	ssyncset.done $0x0  }
0x6c: {  	[sflag:s22] =	ssyncadd.s32 $0xFFFFC000  }
0x6d: {  	[spmem:s3] =	stream.indirect.scatter.add.f32 [tilespmem:s20], [sflag:$0x3], $0x80, s24, s19, $0xb8;
	[tilespmem:$0x1E400] =	vst v63  }
0x6e: {  	_ =	swait.ge [sflag:s16], $0x4000  }
0x6f: {  	[sflag:s16] =	ssyncset.done $0x0  }
0x70: {  	s26 =	simm.s32 $0x0;
	[sflag:s16] =	ssyncadd.s32 $0xFFFFC000  }
0x71: {  	[tilespmem:s26], [sflag:$0x3] =	stream.linear.gather [hbm4b:s9+s26], $0x1400, $0x38;
	[tilespmem:$0x1E400] =	vst v63  }
0x72: {  	_ =	swait.ge [sflag:s16], $0x1400  }
0x73: {  	[sflag:s16] =	ssyncset.done $0x0  }
0x74: {  	[sflag:s16] =	ssyncadd.s32 $0xFFFFEC00  }
0x75: {  	[tilespmem:s17], [sflag:$0x3] =	stream.linear.gather [hbm4b:s10+s26], $0x1400, $0x38;
	[tilespmem:$0x1E400] =	vst v63  }
0x76: {  	_ =	swait.ge [sflag:s16], $0x1400  }
0x77: {  	[sflag:s16] =	ssyncset.done $0x0  }
0x78: {  	[sflag:s16] =	ssyncadd.s32 $0xFFFFEC00  }
0x79: {  	[tilespmem:s18], [sflag:$0x1] =	stream.indirect.gather [hbm4b:s1+s19], $0x80, s26, s19, $0xb8;
	[tilespmem:$0x1E400] =	vst v63  }
0x7a: {  	_ = 	snop  }
0x7b: {  	[tilespmem:s20], [sflag:$0x2] =	stream.indirect.gather [hbm4b:s1+s19], $0x80, s19, s19, $0xb8;
	[tilespmem:$0x1E400] =	vst v63  }
0x7c: {  	_ =	swait.ge [sflag:s21], $0x4000  }
0x7d: {  	[sflag:s21] =	ssyncset.done $0x0  }
0x7e: {  	s29 =	simm.s32 $0x1400;
	[sflag:s21] =	ssyncadd.s32 $0xFFFFC000  }
0x7f: {  	[spmem:s3] =	stream.indirect.scatter.add.f32 [tilespmem:s18], [sflag:$0x3], $0x80, s29, s19, $0xb8;
	[tilespmem:$0x1E400] =	vst v63  }
0x80: {  	_ =	swait.ge [sflag:s16], $0x4000  }
0x81: {  	[sflag:s16] =	ssyncset.done $0x0  }
0x82: {  	s30 =	simm.s32 $0x100;
	[sflag:s16] =	ssyncadd.s32 $0xFFFFC000  }
0x83: {  	[tilespmem:s18], [sflag:$0x1] =	stream.indirect.gather [hbm4b:s1+s19], $0x80, s30, s19, $0xb8;
	[tilespmem:$0x1E400] =	vst v63  }
0x84: {  	_ =	swait.ge [sflag:s22], $0x4000  }
0x85: {  	[sflag:s22] =	ssyncset.done $0x0  }
0x86: {  	s31 =	simm.s32 $0x1480;
	[sflag:s22] =	ssyncadd.s32 $0xFFFFC000  }
0x87: {  	[spmem:s3] =	stream.indirect.scatter.add.f32 [tilespmem:s20], [sflag:$0x3], $0x80, s31, s19, $0xb8;
	[tilespmem:$0x1E400] =	vst v63  }
0x88: {  	_ =	swait.ge [sflag:s16], $0x4000  }
0x89: {  	[sflag:s16] =	ssyncset.done $0x0  }
0x8a: {  	s28 =	simm.s32 $0x180;
	s26 =	simm.s32 $0x400;
	[sflag:s16] =	ssyncadd.s32 $0xFFFFC000  }
.LBB2_6:
0x8b: {  	[tilespmem:s20], [sflag:$0x2] =	stream.indirect.gather [hbm4b:s1+s19], $0x80, s28, s19, $0xb8;
	[tilespmem:$0x1E400] =	vst v63  }
0x8c: {  	s28 =	smov.u32 s26  }
0x8d: {  	p0 =	sne.s32 s26, $0x4800;
	s26 =	sadd.s32 $0x400, s26;
	_ =	swait.ge [sflag:s21], $0x4000  }
0x8e: {  	s28 =	sshra.s32 s28, $0x2;
	[sflag:s21] =	ssyncset.done $0x0  }
0x8f: {  	s29 =	sadd.s32 $0x1400, s28;
	[sflag:s21] =	ssyncadd.s32 $0xFFFFC000  }
0x90: {  	[spmem:s3] =	stream.indirect.scatter.add.f32 [tilespmem:s18], [sflag:$0x3], $0x80, s29, s19, $0xb8;
	[tilespmem:$0x1E400] =	vst v63  }
0x91: {  	_ =	swait.ge [sflag:s16], $0x4000  }
0x92: {  	[sflag:s16] =	ssyncset.done $0x0  }
0x93: {  	s29 =	sadd.s32 $0x100, s28;
	[sflag:s16] =	ssyncadd.s32 $0xFFFFC000  }
0x94: {  	[tilespmem:s18], [sflag:$0x1] =	stream.indirect.gather [hbm4b:s1+s19], $0x80, s29, s19, $0xb8;
	[tilespmem:$0x1E400] =	vst v63  }
0x95: {  	_ =	swait.ge [sflag:s22], $0x4000  }
0x96: {  	[sflag:s22] =	ssyncset.done $0x0  }
.Ltmp2:
0x97: {  	s29 =	sadd.s32 $0x1480, s28;
	[sflag:s22] =	ssyncadd.s32 $0xFFFFC000;
	(pc) =	sbr.rel @p0 .LBB2_6-.Ltmp2, $4  }
0x98: {  	[spmem:s3] =	stream.indirect.scatter.add.f32 [tilespmem:s20], [sflag:$0x3], $0x80, s29, s19, $0xb8;
	[tilespmem:$0x1E400] =	vst v63  }
0x99: {  	_ =	swait.ge [sflag:s16], $0x4000  }
0x9a: {  	[sflag:s16] =	ssyncset.done $0x0  }
0x9b: {  	s28 =	sadd.s32 $0x180, s28;
	[sflag:s16] =	ssyncadd.s32 $0xFFFFC000  }
0x9c: {  	[tilespmem:s20], [sflag:$0x2] =	stream.indirect.gather [hbm4b:s1+s19], $0x80, s28, s19, $0xb8;
	[tilespmem:$0x1E400] =	vst v63  }
0x9d: {  	_ =	swait.ge [sflag:s21], $0x4000  }
0x9e: {  	[sflag:s21] =	ssyncset.done $0x0  }
0x9f: {  	[sflag:s21] =	ssyncadd.s32 $0xFFFFC000  }
0xa0: {  	[spmem:s3] =	stream.indirect.scatter.add.f32 [tilespmem:s18], [sflag:$0x3], $0x80, s23, s19, $0xb8;
	[tilespmem:$0x1E400] =	vst v63  }
0xa1: {  	_ =	swait.ge [sflag:s16], $0x4000  }
0xa2: {  	[sflag:s16] =	ssyncset.done $0x0  }
0xa3: {  	[sflag:s16] =	ssyncadd.s32 $0xFFFFC000  }
0xa4: {  	_ =	swait.ge [sflag:s22], $0x4000  }
0xa5: {  	[sflag:s22] =	ssyncset.done $0x0  }
0xa6: {  	[sflag:s22] =	ssyncadd.s32 $0xFFFFC000  }
0xa7: {  	[spmem:s3] =	stream.indirect.scatter.add.f32 [tilespmem:s20], [sflag:$0x3], $0x80, s24, s19, $0xb8;
	[tilespmem:$0x1E400] =	vst v63  }
0xa8: {  	_ =	swait.ge [sflag:s16], $0x4000  }
0xa9: {  	s26 =	sshll.u32 s0, $0x6;
	s25 =	sadd.s32 $0x1, s25;
	[sflag:s16] =	ssyncset.done $0x0  }
0xaa: {  	s31 =	sshrl.u32 s7, $0x3;
	p0 =	sne.s32 s25, s12;
	[sflag:s16] =	ssyncadd.s32 $0xFFFFC000  }
.Ltmp3:
0xab: {  	s26 =	sor.u32 $0x1C03, s26;
	[bflag:$0x0] =	sbarrier.arrive $0xFFFF;
	(pc) =	sbr.rel @p0 .LBB2_1-.Ltmp3, $4  }
0xac: {  	[hbm:s11], [sflag:s26] =	dma.local [spmem:s31], $0x2780  }
0xad: {  	_ =	swait.ge [sflag:s16], $0x2780  }
0xae: {  	[sflag:s16] =	ssyncset.done $0x0  }
0xaf: {  	[sflag:s16] =	ssyncadd.s32 $0xFFFFD880  }
0xb0: {  	_ =	sfence.sel $0x180000  }
0xb1: {  	[bflag:$0x0] =	sbarrier.arrive $0xFFFF  }
0xb2: {  	p0 =	sne.s32 s0, $0x0;
	_ =	strace $0x90000047  }
0xb3: {  	s0 =	sadd.s32 @!p0 $0x100000, s2;
	[bflag:$0x2] =	sbarrier.arrive $0xFFFF  }
0xb4: {  	[sflag:s0] =	ssyncadd.tile.s32 @!p0 $0x1;
	_ =	shalt  }
.Lfunc_end2:
_tile_overlayer_lowered:
.L_overlay_start_2:
0xb5: {  	(tag) =	ssettag $0x2  }
0xb6: {  	s0 =	rddreg [dreg:$0x0];
	s2 =	stileid.u32  }
0xb7: {  	s1 =	rddreg [dreg:$0x1];
	p0 =	sne.s32 s2, $0x0  }
0xb8: {  	s3 =	rddreg [dreg:$0x2];
	[bflag:$0x3] =	sbarrier.arrive $0xFFFF;
	s2 =	simm.s32 @!p0 $0x1C03  }
0xb9: {  	[timem:s3], [sflag:s2] =	dma.local @!p0 [hbm:s0], s1  }
0xba: {  	s0 =	simm.s32 @!p0 $0x3  }
0xbb: {  	_ =	swait.ge @!p0 [sflag:s0], s1  }
0xbc: {  	s1 =	ssub.s32 @!p0 $0x0, s1;
	[sflag:s0] =	ssyncset.done @!p0 $0x0  }
0xbd: {  	[sflag:s0] =	ssyncadd.s32 @!p0 s1  }
0xbe: {  	[bflag:$0x3] =	sbarrier.arrive $0xFFFF  }
0xbf: {  	_ =	shalt  }

</sc_bundles>
